<compile_context>
chip_gen: v7x
topology: tpu7x:2x2x1
jax: 0.10.2.dev20260603
libtpu: 0.0.44.dev20260713+nightly
codegen_flags: <defaults>
</compile_context>

<pallas_src>
import functools

import jax
import jax.numpy as jnp
from jax import lax
from jax.experimental import pallas as pl
from jax.experimental.pallas import tpu as pltpu
from jax.experimental.pallas import tpu_sc as plsc

_N = 10000
_E = 320000
_D = 128
_G = 16
_NC = 2
_NS = 16
_NW = _NC * _NS
_EPW = _E // _NW
_CH = 40
_NCHUNK = _EPW // _CH
_STRIPE = 624
_LAST = _N - (_NS - 1) * _STRIPE

_ROWS = 1000
_NBLK = _N // _ROWS

_HIGH = jax.lax.Precision.HIGHEST


def _striped(sid, copy):
    @pl.when(sid < _NS - 1)
    def _():
        copy(sid * _STRIPE, _STRIPE)

    @pl.when(sid == _NS - 1)
    def _():
        copy((_NS - 1) * _STRIPE, _LAST)


def _sc_mesh():
    return plsc.VectorSubcoreMesh(
        core_axis_name="c", subcore_axis_name="s",
        num_cores=_NC, num_subcores=_NS)



def _hist_body(dst3_hbm, zeros_hbm, ones_hbm, out_hbm, didx_v, ones_v, acc_sh,
               sem):
    cid = lax.axis_index("c")
    sid = lax.axis_index("s")
    wid = cid * _NS + sid
    pltpu.sync_copy(ones_hbm, ones_v)
    pltpu.sync_copy(dst3_hbm.at[wid], didx_v)
    _striped(sid, lambda lo, n: pltpu.sync_copy(
        zeros_hbm.at[pl.ds(lo, n)], acc_sh.at[pl.ds(lo, n)]))
    plsc.subcore_barrier()

    @pl.loop(0, _NCHUNK)
    def _(g):
        pltpu.async_copy(ones_v, acc_sh.at[didx_v.at[g]], sem, add=True)

    @pl.loop(0, _NCHUNK)
    def _(g):
        pltpu.make_async_copy(ones_v, acc_sh.at[didx_v.at[g]], sem).wait()

    plsc.subcore_barrier()
    _striped(sid, lambda lo, n: pltpu.sync_copy(
        acc_sh.at[pl.ds(lo, n)], out_hbm.at[cid, pl.ds(lo, n)]))


def _sc_degree(dst3, zeros_nd, ones_cd):
    fn = pl.kernel(
        _hist_body,
        out_type=jax.ShapeDtypeStruct((_NC, _N, _D), jnp.float32),
        mesh=_sc_mesh(),
        scratch_types=[
            pltpu.VMEM((_NCHUNK, _CH), jnp.int32),
            pltpu.VMEM((_CH, _D), jnp.float32),
            pltpu.VMEM_SHARED((_N, _D), jnp.float32),
            pltpu.SemaphoreType.DMA,
        ])
    return fn(dst3, zeros_nd, ones_cd)


def _edge_body(hs_hbm, src3_hbm, dst_hbm, out_hbm, sidx_v, d0_v, d1_v, d2_v,
               r0_v, r1_v, r2_v, acc_sh, sem_d0, sem_d1, sem_d2,
               sem_g0, sem_g1, sem_g2):
    cid = lax.axis_index("c")
    sid = lax.axis_index("s")
    wid = cid * _NS + sid
    _striped(sid, lambda lo, n: pltpu.sync_copy(
        hs_hbm.at[pl.ds(lo, n)], acc_sh.at[pl.ds(lo, n)]))
    pltpu.sync_copy(src3_hbm.at[wid], sidx_v)
    plsc.subcore_barrier()
    base = wid * _EPW
    rows = (r0_v, r1_v, r2_v)
    dbuf = (d0_v, d1_v, d2_v)
    gsem = (sem_g0, sem_g1, sem_g2)
    dsem = (sem_d0, sem_d1, sem_d2)

    def didx_start(j, p):
        pltpu.async_copy(dst_hbm.at[pl.ds(base + j * _CH, _CH)], dbuf[p],
                         dsem[p])

    def didx_wait(j, p):
        pltpu.make_async_copy(dst_hbm.at[pl.ds(base + j * _CH, _CH)], dbuf[p],
                              dsem[p]).wait()

    def g_start(j, p):
        pltpu.async_copy(hs_hbm.at[sidx_v.at[j]], rows[p], gsem[p])

    def g_wait(j, p):
        pltpu.make_async_copy(hs_hbm.at[sidx_v.at[j]], rows[p], gsem[p]).wait()

    def step(j, p):
        @pl.when(j + 2 < _NCHUNK)
        def _():
            g_start(j + 2, (p + 2) % 3)

        g_wait(j, p)
        didx_wait(j, p)
        pltpu.sync_copy(rows[p], acc_sh.at[dbuf[p]], add=True)

        @pl.when(j + 3 < _NCHUNK)
        def _():
            didx_start(j + 3, p)

    didx_start(0, 0)
    didx_start(1, 1)
    didx_start(2, 2)
    g_start(0, 0)
    g_start(1, 1)

    @pl.loop(0, _NCHUNK // 3)
    def _(k):
        g = 3 * k
        step(g, 0)
        step(g + 1, 1)
        step(g + 2, 2)

    step(_NCHUNK - 1, 0)
    plsc.subcore_barrier()
    _striped(sid, lambda lo, n: pltpu.sync_copy(
        acc_sh.at[pl.ds(lo, n)], out_hbm.at[cid, pl.ds(lo, n)]))


def _sc_edge(hs, src3, dst):
    fn = pl.kernel(
        _edge_body,
        out_type=jax.ShapeDtypeStruct((_NC, _N, _D), jnp.float32),
        mesh=_sc_mesh(),
        scratch_types=[
            pltpu.VMEM((_NCHUNK, _CH), jnp.int32),
            pltpu.VMEM((_CH,), jnp.int32),
            pltpu.VMEM((_CH,), jnp.int32),
            pltpu.VMEM((_CH,), jnp.int32),
            pltpu.VMEM((_CH, _D), jnp.float32),
            pltpu.VMEM((_CH, _D), jnp.float32),
            pltpu.VMEM((_CH, _D), jnp.float32),
            pltpu.VMEM_SHARED((_N, _D), jnp.float32),
            pltpu.SemaphoreType.DMA,
            pltpu.SemaphoreType.DMA,
            pltpu.SemaphoreType.DMA,
            pltpu.SemaphoreType.DMA,
            pltpu.SemaphoreType.DMA,
            pltpu.SemaphoreType.DMA,
        ])
    return fn(hs, src3, dst)



def _dinv_block(degp_ref):
    deg = degp_ref[0, :, 0:1] + degp_ref[1, :, 0:1] + 1.0
    return 1.0 / jnp.sqrt(jnp.maximum(deg, 1.0))


def _k2_body(x_ref, w_ref, degp_ref, o_ref):
    dinv = _dinv_block(degp_ref)
    h = jnp.dot(x_ref[...], w_ref[...],
                preferred_element_type=jnp.float32, precision=_HIGH)
    o_ref[...] = h * dinv


def _tc_scale1(x, W1, degp):
    return pl.pallas_call(
        _k2_body,
        grid=(_NBLK,),
        in_specs=[
            pl.BlockSpec((_ROWS, _D), lambda i: (i, 0)),
            pl.BlockSpec((_D, _D), lambda i: (0, 0)),
            pl.BlockSpec((_NC, _ROWS, _D), lambda i: (0, i, 0)),
        ],
        out_specs=pl.BlockSpec((_ROWS, _D), lambda i: (i, 0)),
        out_shape=jax.ShapeDtypeStruct((_N, _D), jnp.float32),
    )(x, W1, degp)


def _k3_body(acc_ref, hs1_ref, degp_ref, w_ref, b_ref, o_ref):
    dinv = _dinv_block(degp_ref)
    agg = acc_ref[0] + acc_ref[1] - hs1_ref[...]
    out1 = jnp.maximum(agg * dinv + b_ref[...], 0.0)
    h2 = jnp.dot(out1, w_ref[...],
                 preferred_element_type=jnp.float32, precision=_HIGH)
    o_ref[...] = h2 * dinv


def _tc_mid(acc1, hs1, degp, W2, b1r):
    return pl.pallas_call(
        _k3_body,
        grid=(_NBLK,),
        in_specs=[
            pl.BlockSpec((_NC, _ROWS, _D), lambda i: (0, i, 0)),
            pl.BlockSpec((_ROWS, _D), lambda i: (i, 0)),
            pl.BlockSpec((_NC, _ROWS, _D), lambda i: (0, i, 0)),
            pl.BlockSpec((_D, _D), lambda i: (0, 0)),
            pl.BlockSpec((1, _D), lambda i: (0, 0)),
        ],
        out_specs=pl.BlockSpec((_ROWS, _D), lambda i: (i, 0)),
        out_shape=jax.ShapeDtypeStruct((_N, _D), jnp.float32),
    )(acc1, hs1, degp, W2, b1r)


def _k4_body(acc_ref, hs2_ref, degp_ref, b_ref, batch_ref,
             node_ref, gout_ref, seg_ref, cnt_ref):
    i = pl.program_id(0)
    dinv = _dinv_block(degp_ref)
    node = (acc_ref[0] + acc_ref[1] - hs2_ref[...]) * dinv + b_ref[...]
    node_ref[...] = node
    gids = lax.broadcasted_iota(jnp.int32, (_G, _ROWS), 0)
    oh = (gids == batch_ref[0]).astype(jnp.float32)
    seg_p = jnp.dot(oh, node,
                    preferred_element_type=jnp.float32, precision=_HIGH)
    cnt_p = jnp.sum(oh, axis=1, keepdims=True)

    @pl.when(i == 0)
    def _():
        seg_ref[...] = seg_p
        cnt_ref[...] = jnp.broadcast_to(cnt_p, (_G, _D))

    @pl.when(i > 0)
    def _():
        seg_ref[...] += seg_p
        cnt_ref[...] += jnp.broadcast_to(cnt_p, (_G, _D))

    @pl.when(i == _NBLK - 1)
    def _():
        gout_ref[...] = seg_ref[...] / jnp.maximum(cnt_ref[...], 1.0)


def _tc_final(acc2, hs2, degp, b2r, batch3):
    return pl.pallas_call(
        _k4_body,
        grid=(_NBLK,),
        in_specs=[
            pl.BlockSpec((_NC, _ROWS, _D), lambda i: (0, i, 0)),
            pl.BlockSpec((_ROWS, _D), lambda i: (i, 0)),
            pl.BlockSpec((_NC, _ROWS, _D), lambda i: (0, i, 0)),
            pl.BlockSpec((1, _D), lambda i: (0, 0)),
            pl.BlockSpec((1, 1, _ROWS), lambda i: (i, 0, 0)),
        ],
        out_specs=[
            pl.BlockSpec((_ROWS, _D), lambda i: (i, 0)),
            pl.BlockSpec((_G, _D), lambda i: (0, 0)),
        ],
        out_shape=[
            jax.ShapeDtypeStruct((_N, _D), jnp.float32),
            jax.ShapeDtypeStruct((_G, _D), jnp.float32),
        ],
        scratch_shapes=[
            pltpu.VMEM((_G, _D), jnp.float32),
            pltpu.VMEM((_G, _D), jnp.float32),
        ],
    )(acc2, hs2, degp, b2r, batch3)



def kernel(x, edge_index, batch, W1, b1, W2, b2):
    src3 = edge_index[0].reshape(_NW, _NCHUNK, _CH)
    dst = edge_index[1]
    dst3 = dst.reshape(_NW, _NCHUNK, _CH)
    zeros_nd = jnp.zeros((_N, _D), jnp.float32)
    ones_cd = jnp.ones((_CH, _D), jnp.float32)
    degp = _sc_degree(dst3, zeros_nd, ones_cd)
    hs1 = _tc_scale1(x, W1, degp)
    acc1 = _sc_edge(hs1, src3, dst)
    hs2 = _tc_mid(acc1, hs1, degp, W2, b1.reshape(1, _D))
    acc2 = _sc_edge(hs2, src3, dst)
    node_emb, graph_emb = _tc_final(
        acc2, hs2, degp, b2.reshape(1, _D), batch.reshape(_NBLK, 1, _ROWS))
    return node_emb, graph_emb

# --- scband reference (transcript-rebuilt; emitter-appended) ---
"""Pipeline reference for scband-code-graph-encoder-72473278152765 (READ-ONLY COPY).

The authoritative reference and input builder live on the scoring server;
editing this copy changes nothing except your own understanding.
"""

import jax, jax.numpy as jnp
import numpy as np

N = 10000
E = 320000
D_IN = 128
D_HID = 128
D_OUT = 128
G = 16


def setup_inputs(seed: int = 0) -> dict:
    key = jax.random.key(seed)
    k1, k2, k3, k4, k5 = jax.random.split(key, 5)
    x = jax.random.normal(k1, (N, D_IN), dtype=jnp.float32)
    edge_index = jax.random.randint(k2, (2, E), 0, N, dtype=jnp.int32)
    batch = jnp.sort(jax.random.randint(k3, (N,), 0, G, dtype=jnp.int32))
    # Learned parameters of the 2-layer GCN backbone (gnn_type='gcn', num_layers=2)
    W1 = jax.random.normal(k4, (D_IN, D_HID), dtype=jnp.float32) * 0.05
    b1 = jnp.zeros((D_HID,), dtype=jnp.float32)
    W2 = jax.random.normal(k5, (D_HID, D_OUT), dtype=jnp.float32) * 0.05
    b2 = jnp.zeros((D_OUT,), dtype=jnp.float32)
    return {"x": x, "edge_index": edge_index, "batch": batch,
            "W1": W1, "b1": b1, "W2": W2, "b2": b2}


def _gcn_layer(x, src, dst, W, b):
    # GCNConv with added self-loops and symmetric degree normalization
    n = x.shape[0]
    h = x @ W
    loop = jnp.arange(n, dtype=src.dtype)
    src2 = jnp.concatenate([src, loop])
    dst2 = jnp.concatenate([dst, loop])
    deg = jax.ops.segment_sum(jnp.ones_like(src2, dtype=h.dtype), dst2, num_segments=n)
    dinv = 1.0 / jnp.sqrt(jnp.maximum(deg, 1.0))
    norm = dinv[src2] * dinv[dst2]
    msg = h[src2] * norm[:, None]          # gather (SparseCore)
    out = jax.ops.segment_sum(msg, dst2, num_segments=n)  # scatter-add (SparseCore)
    return out + b


def reference(x, edge_index, batch, W1, b1, W2, b2):
    src, dst = edge_index[0], edge_index[1]
    h = jax.nn.relu(_gcn_layer(x, src, dst, W1, b1))
    node_emb = _gcn_layer(h, src, dst, W2, b2)
    # global_mean_pool over the batch vector
    counts = jax.ops.segment_sum(jnp.ones((x.shape[0],), dtype=x.dtype), batch, num_segments=G)
    graph_emb = jax.ops.segment_sum(node_emb, batch, num_segments=G) / jnp.maximum(counts, 1.0)[:, None]
    return (node_emb, graph_emb)

if __name__ == "__main__":
    import jax
    _d = setup_inputs()
    print(jax.jit(kernel)(*tuple(_d.values())))

</pallas_src>

<mosaic_0001>
#map = affine_map<(d0, d1) -> (0, 0)>
#map1 = affine_map<(d0, d1) -> (0, 0, 0)>
#map2 = affine_map<(d0, d1) -> (0)>
module attributes {stable_mosaic.version = 14 : i64} {
  func.func @_edge_body(%arg0: i32, %arg1: i32, %arg2: memref<10000x128xf32, #tpu.memory_space<hbm>>, %arg3: memref<32x250x40xi32, #tpu.memory_space<hbm>>, %arg4: memref<320000xi32, #tpu.memory_space<hbm>>, %arg5: memref<2x10000x128xf32, #tpu.memory_space<hbm>>, %arg6: memref<250x40xi32, #tpu.memory_space<vmem>>, %arg7: memref<40xi32, #tpu.memory_space<vmem>>, %arg8: memref<40xi32, #tpu.memory_space<vmem>>, %arg9: memref<40xi32, #tpu.memory_space<vmem>>, %arg10: memref<40x128xf32, #tpu.memory_space<vmem>>, %arg11: memref<40x128xf32, #tpu.memory_space<vmem>>, %arg12: memref<40x128xf32, #tpu.memory_space<vmem>>, %arg13: memref<10000x128xf32, #tpu.memory_space<vmem_shared>>, %arg14: memref<!tpu.dma_semaphore, #tpu.memory_space<semaphore_mem>>, %arg15: memref<!tpu.dma_semaphore, #tpu.memory_space<semaphore_mem>>, %arg16: memref<!tpu.dma_semaphore, #tpu.memory_space<semaphore_mem>>, %arg17: memref<!tpu.dma_semaphore, #tpu.memory_space<semaphore_mem>>, %arg18: memref<!tpu.dma_semaphore, #tpu.memory_space<semaphore_mem>>, %arg19: memref<!tpu.dma_semaphore, #tpu.memory_space<semaphore_mem>>) attributes {dimension_semantics = [#tpu.dimension_semantics<core_parallel>, #tpu.dimension_semantics<subcore_parallel>], iteration_bounds = array<i64: 2, 16>, scalar_prefetch = 0 : i64, scratch_operands = 14 : i64, tpu.core_type = #tpu.core_type<sc_vector_subcore>, window_params = [{transform_indices = #map}, {transform_indices = #map1}, {transform_indices = #map2}, {transform_indices = #map1}]} {
    %mul3A = arith.constant 16 : i32
    %mul3A_0 = arith.muli %arg0, %mul3A : i32
    %add3A = arith.addi %mul3A_0, %arg1 : i32
    %lt3A = arith.constant 15 : i32
    %lt3A_1 = arith.cmpi slt, %arg1, %lt3A : i32
    %convert_element_type3A = arith.extui %lt3A_1 : i1 to i32
    %cond3A = arith.constant 0 : i32
    %cond3A_2 = arith.cmpi ne, %convert_element_type3A, %cond3A : i32
    scf.if %cond3A_2 {
      %mul3A_59 = arith.constant 624 : i32
      %mul3A_60 = arith.muli %arg1, %mul3A_59 : i32
      "tpu.region"() ({
        %run_scoped3A = tpu.sem_alloc : memref<!tpu.dma_semaphore, #tpu.memory_space<semaphore_mem>>
        %dma_start3A_61 = arith.constant 0 : i32
        %dma_start3A_62 = tpu.memref_slice %arg13[%mul3A_60, %dma_start3A_61] : memref<10000x128xf32, #tpu.memory_space<vmem_shared>> -> memref<624x128xf32, #tpu.memory_space<vmem_shared>>
        %dma_start3A_63 = arith.constant 0 : i32
        %dma_start3A_64 = tpu.memref_slice %arg2[%mul3A_60, %dma_start3A_63] : memref<10000x128xf32, #tpu.memory_space<hbm>> -> memref<624x128xf32, #tpu.memory_space<hbm>>
        tpu.enqueue_dma source(%dma_start3A_64 : memref<624x128xf32, #tpu.memory_space<hbm>>) target(%dma_start3A_62 : memref<624x128xf32, #tpu.memory_space<vmem_shared>>) target_semaphore(%run_scoped3A : memref<!tpu.dma_semaphore, #tpu.memory_space<semaphore_mem>>)
        %dma_wait3A_65 = arith.constant 0 : i32
        %dma_wait3A_66 = tpu.memref_slice %arg13[%mul3A_60, %dma_wait3A_65] : memref<10000x128xf32, #tpu.memory_space<vmem_shared>> -> memref<624x128xf32, #tpu.memory_space<vmem_shared>>
        %dma_wait3A_67 = arith.constant 0 : i32
        %dma_wait3A_68 = tpu.memref_slice %arg2[%mul3A_60, %dma_wait3A_67] : memref<10000x128xf32, #tpu.memory_space<hbm>> -> memref<624x128xf32, #tpu.memory_space<hbm>>
        tpu.wait_dma2 semaphore(%run_scoped3A : memref<!tpu.dma_semaphore, #tpu.memory_space<semaphore_mem>>) src(%dma_wait3A_68 : memref<624x128xf32, #tpu.memory_space<hbm>>) dst(%dma_wait3A_66 : memref<624x128xf32, #tpu.memory_space<vmem_shared>>)
        tpu.yield
      }) : () -> ()
    } else {
    }
    %eq3A = arith.constant 15 : i32
    %eq3A_3 = arith.cmpi eq, %arg1, %eq3A : i32
    %convert_element_type3A_4 = arith.extui %eq3A_3 : i1 to i32
    %cond3A_5 = arith.constant 0 : i32
    %cond3A_6 = arith.cmpi ne, %convert_element_type3A_4, %cond3A_5 : i32
    scf.if %cond3A_6 {
      "tpu.region"() ({
        %run_scoped3A = tpu.sem_alloc : memref<!tpu.dma_semaphore, #tpu.memory_space<semaphore_mem>>
        %dma_start3A_59 = arith.constant 9360 : i32
        %dma_start3A_60 = arith.constant 0 : i32
        %dma_start3A_61 = tpu.memref_slice %arg13[%dma_start3A_59, %dma_start3A_60] : memref<10000x128xf32, #tpu.memory_space<vmem_shared>> -> memref<640x128xf32, #tpu.memory_space<vmem_shared>>
        %dma_start3A_62 = arith.constant 9360 : i32
        %dma_start3A_63 = arith.constant 0 : i32
        %dma_start3A_64 = tpu.memref_slice %arg2[%dma_start3A_62, %dma_start3A_63] : memref<10000x128xf32, #tpu.memory_space<hbm>> -> memref<640x128xf32, #tpu.memory_space<hbm>>
        tpu.enqueue_dma source(%dma_start3A_64 : memref<640x128xf32, #tpu.memory_space<hbm>>) target(%dma_start3A_61 : memref<640x128xf32, #tpu.memory_space<vmem_shared>>) target_semaphore(%run_scoped3A : memref<!tpu.dma_semaphore, #tpu.memory_space<semaphore_mem>>)
        %dma_wait3A_65 = arith.constant 9360 : i32
        %dma_wait3A_66 = arith.constant 0 : i32
        %dma_wait3A_67 = tpu.memref_slice %arg13[%dma_wait3A_65, %dma_wait3A_66] : memref<10000x128xf32, #tpu.memory_space<vmem_shared>> -> memref<640x128xf32, #tpu.memory_space<vmem_shared>>
        %dma_wait3A_68 = arith.constant 9360 : i32
        %dma_wait3A_69 = arith.constant 0 : i32
        %dma_wait3A_70 = tpu.memref_slice %arg2[%dma_wait3A_68, %dma_wait3A_69] : memref<10000x128xf32, #tpu.memory_space<hbm>> -> memref<640x128xf32, #tpu.memory_space<hbm>>
        tpu.wait_dma2 semaphore(%run_scoped3A : memref<!tpu.dma_semaphore, #tpu.memory_space<semaphore_mem>>) src(%dma_wait3A_70 : memref<640x128xf32, #tpu.memory_space<hbm>>) dst(%dma_wait3A_67 : memref<640x128xf32, #tpu.memory_space<vmem_shared>>)
        tpu.yield
      }) : () -> ()
    } else {
    }
    "tpu.region"() ({
      %run_scoped3A = tpu.sem_alloc : memref<!tpu.dma_semaphore, #tpu.memory_space<semaphore_mem>>
      %dma_start3A_59 = arith.constant 0 : i32
      %dma_start3A_60 = arith.constant 0 : i32
      %dma_start3A_61 = tpu.memref_slice %arg3[%add3A, %dma_start3A_59, %dma_start3A_60] : memref<32x250x40xi32, #tpu.memory_space<hbm>> -> memref<1x250x40xi32, #tpu.memory_space<hbm>>
      %dma_start3A_62 = tpu.memref_squeeze %dma_start3A_61 : memref<1x250x40xi32, #tpu.memory_space<hbm>> -> memref<250x40xi32, #tpu.memory_space<hbm>>
      %dma_start3A_63 = arith.constant 0 : i32
      %dma_start3A_64 = arith.constant 0 : i32
      %dma_start3A_65 = tpu.memref_slice %arg3[%add3A, %dma_start3A_63, %dma_start3A_64] : memref<32x250x40xi32, #tpu.memory_space<hbm>> -> memref<1x250x40xi32, #tpu.memory_space<hbm>>
      %dma_start3A_66 = tpu.memref_squeeze %dma_start3A_65 : memref<1x250x40xi32, #tpu.memory_space<hbm>> -> memref<250x40xi32, #tpu.memory_space<hbm>>
      tpu.enqueue_dma source(%dma_start3A_66 : memref<250x40xi32, #tpu.memory_space<hbm>>) target(%arg6 : memref<250x40xi32, #tpu.memory_space<vmem>>) target_semaphore(%run_scoped3A : memref<!tpu.dma_semaphore, #tpu.memory_space<semaphore_mem>>)
      %dma_wait3A_67 = arith.constant 0 : i32
      %dma_wait3A_68 = arith.constant 0 : i32
      %dma_wait3A_69 = tpu.memref_slice %arg3[%add3A, %dma_wait3A_67, %dma_wait3A_68] : memref<32x250x40xi32, #tpu.memory_space<hbm>> -> memref<1x250x40xi32, #tpu.memory_space<hbm>>
      %dma_wait3A_70 = tpu.memref_squeeze %dma_wait3A_69 : memref<1x250x40xi32, #tpu.memory_space<hbm>> -> memref<250x40xi32, #tpu.memory_space<hbm>>
      %dma_wait3A_71 = arith.constant 0 : i32
      %dma_wait3A_72 = arith.constant 0 : i32
      %dma_wait3A_73 = tpu.memref_slice %arg3[%add3A, %dma_wait3A_71, %dma_wait3A_72] : memref<32x250x40xi32, #tpu.memory_space<hbm>> -> memref<1x250x40xi32, #tpu.memory_space<hbm>>
      %dma_wait3A_74 = tpu.memref_squeeze %dma_wait3A_73 : memref<1x250x40xi32, #tpu.memory_space<hbm>> -> memref<250x40xi32, #tpu.memory_space<hbm>>
      tpu.wait_dma2 semaphore(%run_scoped3A : memref<!tpu.dma_semaphore, #tpu.memory_space<semaphore_mem>>) src(%dma_wait3A_74 : memref<250x40xi32, #tpu.memory_space<hbm>>) dst(%arg6 : memref<250x40xi32, #tpu.memory_space<vmem>>)
      tpu.yield
    }) : () -> ()
    %barrier3A = arith.constant 0 : index
    tpu.barrier barrier_id(%barrier3A)
    %mul3A_7 = arith.constant 10000 : i32
    %mul3A_8 = arith.muli %add3A, %mul3A_7 : i32
    %add3A_9 = arith.constant 0 : i32
    %add3A_10 = arith.addi %mul3A_8, %add3A_9 : i32
    %dma_start3A = tpu.memref_slice %arg4[%add3A_10] : memref<320000xi32, #tpu.memory_space<hbm>> -> memref<40xi32, #tpu.memory_space<hbm>>
    %dma_start3A_11 = tpu.memref_slice %arg4[%add3A_10] : memref<320000xi32, #tpu.memory_space<hbm>> -> memref<40xi32, #tpu.memory_space<hbm>>
    tpu.enqueue_dma source(%dma_start3A_11 : memref<40xi32, #tpu.memory_space<hbm>>) target(%arg7 : memref<40xi32, #tpu.memory_space<vmem>>) target_semaphore(%arg14 : memref<!tpu.dma_semaphore, #tpu.memory_space<semaphore_mem>>)
    %add3A_12 = arith.constant 40 : i32
    %add3A_13 = arith.addi %mul3A_8, %add3A_12 : i32
    %dma_start3A_14 = tpu.memref_slice %arg4[%add3A_13] : memref<320000xi32, #tpu.memory_space<hbm>> -> memref<40xi32, #tpu.memory_space<hbm>>
    %dma_start3A_15 = tpu.memref_slice %arg4[%add3A_13] : memref<320000xi32, #tpu.memory_space<hbm>> -> memref<40xi32, #tpu.memory_space<hbm>>
    tpu.enqueue_dma source(%dma_start3A_15 : memref<40xi32, #tpu.memory_space<hbm>>) target(%arg8 : memref<40xi32, #tpu.memory_space<vmem>>) target_semaphore(%arg15 : memref<!tpu.dma_semaphore, #tpu.memory_space<semaphore_mem>>)
    %add3A_16 = arith.constant 80 : i32
    %add3A_17 = arith.addi %mul3A_8, %add3A_16 : i32
    %dma_start3A_18 = tpu.memref_slice %arg4[%add3A_17] : memref<320000xi32, #tpu.memory_space<hbm>> -> memref<40xi32, #tpu.memory_space<hbm>>
    %dma_start3A_19 = tpu.memref_slice %arg4[%add3A_17] : memref<320000xi32, #tpu.memory_space<hbm>> -> memref<40xi32, #tpu.memory_space<hbm>>
    tpu.enqueue_dma source(%dma_start3A_19 : memref<40xi32, #tpu.memory_space<hbm>>) target(%arg9 : memref<40xi32, #tpu.memory_space<vmem>>) target_semaphore(%arg16 : memref<!tpu.dma_semaphore, #tpu.memory_space<semaphore_mem>>)
    %dma_start3A_20 = arith.constant 0 : i32
    %dma_start3A_21 = arith.constant 0 : i32
    %dma_start3A_22 = tpu.memref_slice %arg6[%dma_start3A_20, %dma_start3A_21] : memref<250x40xi32, #tpu.memory_space<vmem>> -> memref<1x40xi32, #tpu.memory_space<vmem>>
    %dma_start3A_23 = tpu.memref_squeeze %dma_start3A_22 : memref<1x40xi32, #tpu.memory_space<vmem>> -> memref<40xi32, #tpu.memory_space<vmem>>
    %dma_start3A_24 = arith.constant 0 : i32
    %dma_start3A_25 = arith.constant 0 : i32
    %dma_start3A_26 = tpu.memref_slice %arg2[%dma_start3A_24, %dma_start3A_25] : memref<10000x128xf32, #tpu.memory_space<hbm>> -> memref<10000x128xf32, #tpu.memory_space<hbm>>
    tpu.enqueue_indirect_dma source(%dma_start3A_26 : memref<10000x128xf32, #tpu.memory_space<hbm>>) target(%arg10 : memref<40x128xf32, #tpu.memory_space<vmem>>) offsets(%dma_start3A_23 : memref<40xi32, #tpu.memory_space<vmem>>) semaphore(%arg17 : memref<!tpu.dma_semaphore, #tpu.memory_space<semaphore_mem>>)
    %dma_start3A_27 = arith.constant 1 : i32
    %dma_start3A_28 = arith.constant 0 : i32
    %dma_start3A_29 = tpu.memref_slice %arg6[%dma_start3A_27, %dma_start3A_28] : memref<250x40xi32, #tpu.memory_space<vmem>> -> memref<1x40xi32, #tpu.memory_space<vmem>>
    %dma_start3A_30 = tpu.memref_squeeze %dma_start3A_29 : memref<1x40xi32, #tpu.memory_space<vmem>> -> memref<40xi32, #tpu.memory_space<vmem>>
    %dma_start3A_31 = arith.constant 0 : i32
    %dma_start3A_32 = arith.constant 0 : i32
    %dma_start3A_33 = tpu.memref_slice %arg2[%dma_start3A_31, %dma_start3A_32] : memref<10000x128xf32, #tpu.memory_space<hbm>> -> memref<10000x128xf32, #tpu.memory_space<hbm>>
    tpu.enqueue_indirect_dma source(%dma_start3A_33 : memref<10000x128xf32, #tpu.memory_space<hbm>>) target(%arg11 : memref<40x128xf32, #tpu.memory_space<vmem>>) offsets(%dma_start3A_30 : memref<40xi32, #tpu.memory_space<vmem>>) semaphore(%arg18 : memref<!tpu.dma_semaphore, #tpu.memory_space<semaphore_mem>>)
    %scan3A = arith.constant 0 : i32
    %scan3A_34 = arith.constant 83 : i32
    %scan3A_35 = arith.addi %scan3A, %scan3A_34 : i32
    %scan3A_36 = arith.constant 1 : i32
    scf.for %scan3A_59 = %scan3A to %scan3A_35 step %scan3A_36  : i32 {
      %mul3A_60 = arith.constant 1 : i32
      %mul3A_61 = arith.muli %scan3A_59, %mul3A_60 : i32
      %add3A_62 = arith.constant 0 : i32
      %add3A_63 = arith.addi %add3A_62, %mul3A_61 : i32
      %mul3A_64 = arith.constant 3 : i32
      %mul3A_65 = arith.muli %mul3A_64, %add3A_63 : i32
      %add3A_66 = arith.constant 2 : i32
      %add3A_67 = arith.addi %mul3A_65, %add3A_66 : i32
      %lt3A_68 = arith.constant 250 : i32
      %lt3A_69 = arith.cmpi slt, %add3A_67, %lt3A_68 : i32
      %convert_element_type3A_70 = arith.extui %lt3A_69 : i1 to i32
      %cond3A_71 = arith.constant 0 : i32
      %cond3A_72 = arith.cmpi ne, %convert_element_type3A_70, %cond3A_71 : i32
      scf.if %cond3A_72 {
        %add3A_145 = arith.constant 2 : i32
        %add3A_146 = arith.addi %mul3A_65, %add3A_145 : i32
        %dma_start3A_147 = arith.constant 0 : i32
        %dma_start3A_148 = tpu.memref_slice %arg6[%add3A_146, %dma_start3A_147] : memref<250x40xi32, #tpu.memory_space<vmem>> -> memref<1x40xi32, #tpu.memory_space<vmem>>
        %dma_start3A_149 = tpu.memref_squeeze %dma_start3A_148 : memref<1x40xi32, #tpu.memory_space<vmem>> -> memref<40xi32, #tpu.memory_space<vmem>>
        %dma_start3A_150 = arith.constant 0 : i32
        %dma_start3A_151 = arith.constant 0 : i32
        %dma_start3A_152 = tpu.memref_slice %arg2[%dma_start3A_150, %dma_start3A_151] : memref<10000x128xf32, #tpu.memory_space<hbm>> -> memref<10000x128xf32, #tpu.memory_space<hbm>>
        tpu.enqueue_indirect_dma source(%dma_start3A_152 : memref<10000x128xf32, #tpu.memory_space<hbm>>) target(%arg12 : memref<40x128xf32, #tpu.memory_space<vmem>>) offsets(%dma_start3A_149 : memref<40xi32, #tpu.memory_space<vmem>>) semaphore(%arg19 : memref<!tpu.dma_semaphore, #tpu.memory_space<semaphore_mem>>)
      } else {
      }
      %dma_wait3A_73 = arith.constant 0 : i32
      %dma_wait3A_74 = tpu.memref_slice %arg6[%mul3A_65, %dma_wait3A_73] : memref<250x40xi32, #tpu.memory_space<vmem>> -> memref<1x40xi32, #tpu.memory_space<vmem>>
      %dma_wait3A_75 = tpu.memref_squeeze %dma_wait3A_74 : memref<1x40xi32, #tpu.memory_space<vmem>> -> memref<40xi32, #tpu.memory_space<vmem>>
      %dma_wait3A_76 = arith.constant 0 : i32
      %dma_wait3A_77 = arith.constant 0 : i32
      %dma_wait3A_78 = tpu.memref_slice %arg2[%dma_wait3A_76, %dma_wait3A_77] : memref<10000x128xf32, #tpu.memory_space<hbm>> -> memref<10000x128xf32, #tpu.memory_space<hbm>>
      tpu.wait_indirect_dma semaphore(%arg17 : memref<!tpu.dma_semaphore, #tpu.memory_space<semaphore_mem>>) src(%dma_wait3A_78 : memref<10000x128xf32, #tpu.memory_space<hbm>>) dst(%arg10 : memref<40x128xf32, #tpu.memory_space<vmem>>)
      %mul3A_79 = arith.constant 40 : i32
      %mul3A_80 = arith.muli %mul3A_65, %mul3A_79 : i32
      %add3A_81 = arith.addi %mul3A_8, %mul3A_80 : i32
      %dma_wait3A_82 = tpu.memref_slice %arg4[%add3A_81] : memref<320000xi32, #tpu.memory_space<hbm>> -> memref<40xi32, #tpu.memory_space<hbm>>
      %dma_wait3A_83 = tpu.memref_slice %arg4[%add3A_81] : memref<320000xi32, #tpu.memory_space<hbm>> -> memref<40xi32, #tpu.memory_space<hbm>>
      tpu.wait_dma2 semaphore(%arg14 : memref<!tpu.dma_semaphore, #tpu.memory_space<semaphore_mem>>) src(%dma_wait3A_83 : memref<40xi32, #tpu.memory_space<hbm>>) dst(%arg7 : memref<40xi32, #tpu.memory_space<vmem>>)
      "tpu.region"() ({
        %run_scoped3A = tpu.sem_alloc : memref<!tpu.dma_semaphore, #tpu.memory_space<semaphore_mem>>
        %dma_start3A_145 = arith.constant 0 : i32
        %dma_start3A_146 = arith.constant 0 : i32
        %dma_start3A_147 = tpu.memref_slice %arg13[%dma_start3A_145, %dma_start3A_146] : memref<10000x128xf32, #tpu.memory_space<vmem_shared>> -> memref<10000x128xf32, #tpu.memory_space<vmem_shared>>
        tpu.enqueue_indirect_dma source(%arg10 : memref<40x128xf32, #tpu.memory_space<vmem>>) target(%dma_start3A_147 : memref<10000x128xf32, #tpu.memory_space<vmem_shared>>) offsets(%arg7 : memref<40xi32, #tpu.memory_space<vmem>>) semaphore(%run_scoped3A : memref<!tpu.dma_semaphore, #tpu.memory_space<semaphore_mem>>) {add = true}
        %dma_wait3A_148 = arith.constant 0 : i32
        %dma_wait3A_149 = arith.constant 0 : i32
        %dma_wait3A_150 = tpu.memref_slice %arg13[%dma_wait3A_148, %dma_wait3A_149] : memref<10000x128xf32, #tpu.memory_space<vmem_shared>> -> memref<10000x128xf32, #tpu.memory_space<vmem_shared>>
        tpu.wait_indirect_dma semaphore(%run_scoped3A : memref<!tpu.dma_semaphore, #tpu.memory_space<semaphore_mem>>) src(%arg10 : memref<40x128xf32, #tpu.memory_space<vmem>>) dst(%dma_wait3A_150 : memref<10000x128xf32, #tpu.memory_space<vmem_shared>>)
        tpu.yield
      }) : () -> ()
      %add3A_84 = arith.constant 3 : i32
      %add3A_85 = arith.addi %mul3A_65, %add3A_84 : i32
      %lt3A_86 = arith.constant 250 : i32
      %lt3A_87 = arith.cmpi slt, %add3A_85, %lt3A_86 : i32
      %convert_element_type3A_88 = arith.extui %lt3A_87 : i1 to i32
      %cond3A_89 = arith.constant 0 : i32
      %cond3A_90 = arith.cmpi ne, %convert_element_type3A_88, %cond3A_89 : i32
      scf.if %cond3A_90 {
        %add3A_145 = arith.constant 3 : i32
        %add3A_146 = arith.addi %mul3A_65, %add3A_145 : i32
        %mul3A_147 = arith.constant 40 : i32
        %mul3A_148 = arith.muli %add3A_146, %mul3A_147 : i32
        %add3A_149 = arith.addi %mul3A_8, %mul3A_148 : i32
        %dma_start3A_150 = tpu.memref_slice %arg4[%add3A_149] : memref<320000xi32, #tpu.memory_space<hbm>> -> memref<40xi32, #tpu.memory_space<hbm>>
        %dma_start3A_151 = tpu.memref_slice %arg4[%add3A_149] : memref<320000xi32, #tpu.memory_space<hbm>> -> memref<40xi32, #tpu.memory_space<hbm>>
        tpu.enqueue_dma source(%dma_start3A_151 : memref<40xi32, #tpu.memory_space<hbm>>) target(%arg7 : memref<40xi32, #tpu.memory_space<vmem>>) target_semaphore(%arg14 : memref<!tpu.dma_semaphore, #tpu.memory_space<semaphore_mem>>)
      } else {
      }
      %add3A_91 = arith.constant 1 : i32
      %add3A_92 = arith.addi %mul3A_65, %add3A_91 : i32
      %add3A_93 = arith.constant 2 : i32
      %add3A_94 = arith.addi %add3A_92, %add3A_93 : i32
      %lt3A_95 = arith.constant 250 : i32
      %lt3A_96 = arith.cmpi slt, %add3A_94, %lt3A_95 : i32
      %convert_element_type3A_97 = arith.extui %lt3A_96 : i1 to i32
      %cond3A_98 = arith.constant 0 : i32
      %cond3A_99 = arith.cmpi ne, %convert_element_type3A_97, %cond3A_98 : i32
      scf.if %cond3A_99 {
        %add3A_145 = arith.constant 2 : i32
        %add3A_146 = arith.addi %add3A_92, %add3A_145 : i32
        %dma_start3A_147 = arith.constant 0 : i32
        %dma_start3A_148 = tpu.memref_slice %arg6[%add3A_146, %dma_start3A_147] : memref<250x40xi32, #tpu.memory_space<vmem>> -> memref<1x40xi32, #tpu.memory_space<vmem>>
        %dma_start3A_149 = tpu.memref_squeeze %dma_start3A_148 : memref<1x40xi32, #tpu.memory_space<vmem>> -> memref<40xi32, #tpu.memory_space<vmem>>
        %dma_start3A_150 = arith.constant 0 : i32
        %dma_start3A_151 = arith.constant 0 : i32
        %dma_start3A_152 = tpu.memref_slice %arg2[%dma_start3A_150, %dma_start3A_151] : memref<10000x128xf32, #tpu.memory_space<hbm>> -> memref<10000x128xf32, #tpu.memory_space<hbm>>
        tpu.enqueue_indirect_dma source(%dma_start3A_152 : memref<10000x128xf32, #tpu.memory_space<hbm>>) target(%arg10 : memref<40x128xf32, #tpu.memory_space<vmem>>) offsets(%dma_start3A_149 : memref<40xi32, #tpu.memory_space<vmem>>) semaphore(%arg17 : memref<!tpu.dma_semaphore, #tpu.memory_space<semaphore_mem>>)
      } else {
      }
      %dma_wait3A_100 = arith.constant 0 : i32
      %dma_wait3A_101 = tpu.memref_slice %arg6[%add3A_92, %dma_wait3A_100] : memref<250x40xi32, #tpu.memory_space<vmem>> -> memref<1x40xi32, #tpu.memory_space<vmem>>
      %dma_wait3A_102 = tpu.memref_squeeze %dma_wait3A_101 : memref<1x40xi32, #tpu.memory_space<vmem>> -> memref<40xi32, #tpu.memory_space<vmem>>
      %dma_wait3A_103 = arith.constant 0 : i32
      %dma_wait3A_104 = arith.constant 0 : i32
      %dma_wait3A_105 = tpu.memref_slice %arg2[%dma_wait3A_103, %dma_wait3A_104] : memref<10000x128xf32, #tpu.memory_space<hbm>> -> memref<10000x128xf32, #tpu.memory_space<hbm>>
      tpu.wait_indirect_dma semaphore(%arg18 : memref<!tpu.dma_semaphore, #tpu.memory_space<semaphore_mem>>) src(%dma_wait3A_105 : memref<10000x128xf32, #tpu.memory_space<hbm>>) dst(%arg11 : memref<40x128xf32, #tpu.memory_space<vmem>>)
      %mul3A_106 = arith.constant 40 : i32
      %mul3A_107 = arith.muli %add3A_92, %mul3A_106 : i32
      %add3A_108 = arith.addi %mul3A_8, %mul3A_107 : i32
      %dma_wait3A_109 = tpu.memref_slice %arg4[%add3A_108] : memref<320000xi32, #tpu.memory_space<hbm>> -> memref<40xi32, #tpu.memory_space<hbm>>
      %dma_wait3A_110 = tpu.memref_slice %arg4[%add3A_108] : memref<320000xi32, #tpu.memory_space<hbm>> -> memref<40xi32, #tpu.memory_space<hbm>>
      tpu.wait_dma2 semaphore(%arg15 : memref<!tpu.dma_semaphore, #tpu.memory_space<semaphore_mem>>) src(%dma_wait3A_110 : memref<40xi32, #tpu.memory_space<hbm>>) dst(%arg8 : memref<40xi32, #tpu.memory_space<vmem>>)
      "tpu.region"() ({
        %run_scoped3A = tpu.sem_alloc : memref<!tpu.dma_semaphore, #tpu.memory_space<semaphore_mem>>
        %dma_start3A_145 = arith.constant 0 : i32
        %dma_start3A_146 = arith.constant 0 : i32
        %dma_start3A_147 = tpu.memref_slice %arg13[%dma_start3A_145, %dma_start3A_146] : memref<10000x128xf32, #tpu.memory_space<vmem_shared>> -> memref<10000x128xf32, #tpu.memory_space<vmem_shared>>
        tpu.enqueue_indirect_dma source(%arg11 : memref<40x128xf32, #tpu.memory_space<vmem>>) target(%dma_start3A_147 : memref<10000x128xf32, #tpu.memory_space<vmem_shared>>) offsets(%arg8 : memref<40xi32, #tpu.memory_space<vmem>>) semaphore(%run_scoped3A : memref<!tpu.dma_semaphore, #tpu.memory_space<semaphore_mem>>) {add = true}
        %dma_wait3A_148 = arith.constant 0 : i32
        %dma_wait3A_149 = arith.constant 0 : i32
        %dma_wait3A_150 = tpu.memref_slice %arg13[%dma_wait3A_148, %dma_wait3A_149] : memref<10000x128xf32, #tpu.memory_space<vmem_shared>> -> memref<10000x128xf32, #tpu.memory_space<vmem_shared>>
        tpu.wait_indirect_dma semaphore(%run_scoped3A : memref<!tpu.dma_semaphore, #tpu.memory_space<semaphore_mem>>) src(%arg11 : memref<40x128xf32, #tpu.memory_space<vmem>>) dst(%dma_wait3A_150 : memref<10000x128xf32, #tpu.memory_space<vmem_shared>>)
        tpu.yield
      }) : () -> ()
      %add3A_111 = arith.constant 3 : i32
      %add3A_112 = arith.addi %add3A_92, %add3A_111 : i32
      %lt3A_113 = arith.constant 250 : i32
      %lt3A_114 = arith.cmpi slt, %add3A_112, %lt3A_113 : i32
      %convert_element_type3A_115 = arith.extui %lt3A_114 : i1 to i32
      %cond3A_116 = arith.constant 0 : i32
      %cond3A_117 = arith.cmpi ne, %convert_element_type3A_115, %cond3A_116 : i32
      scf.if %cond3A_117 {
        %add3A_145 = arith.constant 3 : i32
        %add3A_146 = arith.addi %add3A_92, %add3A_145 : i32
        %mul3A_147 = arith.constant 40 : i32
        %mul3A_148 = arith.muli %add3A_146, %mul3A_147 : i32
        %add3A_149 = arith.addi %mul3A_8, %mul3A_148 : i32
        %dma_start3A_150 = tpu.memref_slice %arg4[%add3A_149] : memref<320000xi32, #tpu.memory_space<hbm>> -> memref<40xi32, #tpu.memory_space<hbm>>
        %dma_start3A_151 = tpu.memref_slice %arg4[%add3A_149] : memref<320000xi32, #tpu.memory_space<hbm>> -> memref<40xi32, #tpu.memory_space<hbm>>
        tpu.enqueue_dma source(%dma_start3A_151 : memref<40xi32, #tpu.memory_space<hbm>>) target(%arg8 : memref<40xi32, #tpu.memory_space<vmem>>) target_semaphore(%arg15 : memref<!tpu.dma_semaphore, #tpu.memory_space<semaphore_mem>>)
      } else {
      }
      %add3A_118 = arith.constant 2 : i32
      %add3A_119 = arith.addi %mul3A_65, %add3A_118 : i32
      %add3A_120 = arith.constant 2 : i32
      %add3A_121 = arith.addi %add3A_119, %add3A_120 : i32
      %lt3A_122 = arith.constant 250 : i32
      %lt3A_123 = arith.cmpi slt, %add3A_121, %lt3A_122 : i32
      %convert_element_type3A_124 = arith.extui %lt3A_123 : i1 to i32
      %cond3A_125 = arith.constant 0 : i32
      %cond3A_126 = arith.cmpi ne, %convert_element_type3A_124, %cond3A_125 : i32
      scf.if %cond3A_126 {
        %add3A_145 = arith.constant 2 : i32
        %add3A_146 = arith.addi %add3A_119, %add3A_145 : i32
        %dma_start3A_147 = arith.constant 0 : i32
        %dma_start3A_148 = tpu.memref_slice %arg6[%add3A_146, %dma_start3A_147] : memref<250x40xi32, #tpu.memory_space<vmem>> -> memref<1x40xi32, #tpu.memory_space<vmem>>
        %dma_start3A_149 = tpu.memref_squeeze %dma_start3A_148 : memref<1x40xi32, #tpu.memory_space<vmem>> -> memref<40xi32, #tpu.memory_space<vmem>>
        %dma_start3A_150 = arith.constant 0 : i32
        %dma_start3A_151 = arith.constant 0 : i32
        %dma_start3A_152 = tpu.memref_slice %arg2[%dma_start3A_150, %dma_start3A_151] : memref<10000x128xf32, #tpu.memory_space<hbm>> -> memref<10000x128xf32, #tpu.memory_space<hbm>>
        tpu.enqueue_indirect_dma source(%dma_start3A_152 : memref<10000x128xf32, #tpu.memory_space<hbm>>) target(%arg11 : memref<40x128xf32, #tpu.memory_space<vmem>>) offsets(%dma_start3A_149 : memref<40xi32, #tpu.memory_space<vmem>>) semaphore(%arg18 : memref<!tpu.dma_semaphore, #tpu.memory_space<semaphore_mem>>)
      } else {
      }
      %dma_wait3A_127 = arith.constant 0 : i32
      %dma_wait3A_128 = tpu.memref_slice %arg6[%add3A_119, %dma_wait3A_127] : memref<250x40xi32, #tpu.memory_space<vmem>> -> memref<1x40xi32, #tpu.memory_space<vmem>>
      %dma_wait3A_129 = tpu.memref_squeeze %dma_wait3A_128 : memref<1x40xi32, #tpu.memory_space<vmem>> -> memref<40xi32, #tpu.memory_space<vmem>>
      %dma_wait3A_130 = arith.constant 0 : i32
      %dma_wait3A_131 = arith.constant 0 : i32
      %dma_wait3A_132 = tpu.memref_slice %arg2[%dma_wait3A_130, %dma_wait3A_131] : memref<10000x128xf32, #tpu.memory_space<hbm>> -> memref<10000x128xf32, #tpu.memory_space<hbm>>
      tpu.wait_indirect_dma semaphore(%arg19 : memref<!tpu.dma_semaphore, #tpu.memory_space<semaphore_mem>>) src(%dma_wait3A_132 : memref<10000x128xf32, #tpu.memory_space<hbm>>) dst(%arg12 : memref<40x128xf32, #tpu.memory_space<vmem>>)
      %mul3A_133 = arith.constant 40 : i32
      %mul3A_134 = arith.muli %add3A_119, %mul3A_133 : i32
      %add3A_135 = arith.addi %mul3A_8, %mul3A_134 : i32
      %dma_wait3A_136 = tpu.memref_slice %arg4[%add3A_135] : memref<320000xi32, #tpu.memory_space<hbm>> -> memref<40xi32, #tpu.memory_space<hbm>>
      %dma_wait3A_137 = tpu.memref_slice %arg4[%add3A_135] : memref<320000xi32, #tpu.memory_space<hbm>> -> memref<40xi32, #tpu.memory_space<hbm>>
      tpu.wait_dma2 semaphore(%arg16 : memref<!tpu.dma_semaphore, #tpu.memory_space<semaphore_mem>>) src(%dma_wait3A_137 : memref<40xi32, #tpu.memory_space<hbm>>) dst(%arg9 : memref<40xi32, #tpu.memory_space<vmem>>)
      "tpu.region"() ({
        %run_scoped3A = tpu.sem_alloc : memref<!tpu.dma_semaphore, #tpu.memory_space<semaphore_mem>>
        %dma_start3A_145 = arith.constant 0 : i32
        %dma_start3A_146 = arith.constant 0 : i32
        %dma_start3A_147 = tpu.memref_slice %arg13[%dma_start3A_145, %dma_start3A_146] : memref<10000x128xf32, #tpu.memory_space<vmem_shared>> -> memref<10000x128xf32, #tpu.memory_space<vmem_shared>>
        tpu.enqueue_indirect_dma source(%arg12 : memref<40x128xf32, #tpu.memory_space<vmem>>) target(%dma_start3A_147 : memref<10000x128xf32, #tpu.memory_space<vmem_shared>>) offsets(%arg9 : memref<40xi32, #tpu.memory_space<vmem>>) semaphore(%run_scoped3A : memref<!tpu.dma_semaphore, #tpu.memory_space<semaphore_mem>>) {add = true}
        %dma_wait3A_148 = arith.constant 0 : i32
        %dma_wait3A_149 = arith.constant 0 : i32
        %dma_wait3A_150 = tpu.memref_slice %arg13[%dma_wait3A_148, %dma_wait3A_149] : memref<10000x128xf32, #tpu.memory_space<vmem_shared>> -> memref<10000x128xf32, #tpu.memory_space<vmem_shared>>
        tpu.wait_indirect_dma semaphore(%run_scoped3A : memref<!tpu.dma_semaphore, #tpu.memory_space<semaphore_mem>>) src(%arg12 : memref<40x128xf32, #tpu.memory_space<vmem>>) dst(%dma_wait3A_150 : memref<10000x128xf32, #tpu.memory_space<vmem_shared>>)
        tpu.yield
      }) : () -> ()
      %add3A_138 = arith.constant 3 : i32
      %add3A_139 = arith.addi %add3A_119, %add3A_138 : i32
      %lt3A_140 = arith.constant 250 : i32
      %lt3A_141 = arith.cmpi slt, %add3A_139, %lt3A_140 : i32
      %convert_element_type3A_142 = arith.extui %lt3A_141 : i1 to i32
      %cond3A_143 = arith.constant 0 : i32
      %cond3A_144 = arith.cmpi ne, %convert_element_type3A_142, %cond3A_143 : i32
      scf.if %cond3A_144 {
        %add3A_145 = arith.constant 3 : i32
        %add3A_146 = arith.addi %add3A_119, %add3A_145 : i32
        %mul3A_147 = arith.constant 40 : i32
        %mul3A_148 = arith.muli %add3A_146, %mul3A_147 : i32
        %add3A_149 = arith.addi %mul3A_8, %mul3A_148 : i32
        %dma_start3A_150 = tpu.memref_slice %arg4[%add3A_149] : memref<320000xi32, #tpu.memory_space<hbm>> -> memref<40xi32, #tpu.memory_space<hbm>>
        %dma_start3A_151 = tpu.memref_slice %arg4[%add3A_149] : memref<320000xi32, #tpu.memory_space<hbm>> -> memref<40xi32, #tpu.memory_space<hbm>>
        tpu.enqueue_dma source(%dma_start3A_151 : memref<40xi32, #tpu.memory_space<hbm>>) target(%arg9 : memref<40xi32, #tpu.memory_space<vmem>>) target_semaphore(%arg16 : memref<!tpu.dma_semaphore, #tpu.memory_space<semaphore_mem>>)
      } else {
      }
    }
    %scan3A_37 = arith.constant 83 : i32
    %dma_wait3A = arith.constant 249 : i32
    %dma_wait3A_38 = arith.constant 0 : i32
    %dma_wait3A_39 = tpu.memref_slice %arg6[%dma_wait3A, %dma_wait3A_38] : memref<250x40xi32, #tpu.memory_space<vmem>> -> memref<1x40xi32, #tpu.memory_space<vmem>>
    %dma_wait3A_40 = tpu.memref_squeeze %dma_wait3A_39 : memref<1x40xi32, #tpu.memory_space<vmem>> -> memref<40xi32, #tpu.memory_space<vmem>>
    %dma_wait3A_41 = arith.constant 0 : i32
    %dma_wait3A_42 = arith.constant 0 : i32
    %dma_wait3A_43 = tpu.memref_slice %arg2[%dma_wait3A_41, %dma_wait3A_42] : memref<10000x128xf32, #tpu.memory_space<hbm>> -> memref<10000x128xf32, #tpu.memory_space<hbm>>
    tpu.wait_indirect_dma semaphore(%arg17 : memref<!tpu.dma_semaphore, #tpu.memory_space<semaphore_mem>>) src(%dma_wait3A_43 : memref<10000x128xf32, #tpu.memory_space<hbm>>) dst(%arg10 : memref<40x128xf32, #tpu.memory_space<vmem>>)
    %add3A_44 = arith.constant 9960 : i32
    %add3A_45 = arith.addi %mul3A_8, %add3A_44 : i32
    %dma_wait3A_46 = tpu.memref_slice %arg4[%add3A_45] : memref<320000xi32, #tpu.memory_space<hbm>> -> memref<40xi32, #tpu.memory_space<hbm>>
    %dma_wait3A_47 = tpu.memref_slice %arg4[%add3A_45] : memref<320000xi32, #tpu.memory_space<hbm>> -> memref<40xi32, #tpu.memory_space<hbm>>
    tpu.wait_dma2 semaphore(%arg14 : memref<!tpu.dma_semaphore, #tpu.memory_space<semaphore_mem>>) src(%dma_wait3A_47 : memref<40xi32, #tpu.memory_space<hbm>>) dst(%arg7 : memref<40xi32, #tpu.memory_space<vmem>>)
    "tpu.region"() ({
      %run_scoped3A = tpu.sem_alloc : memref<!tpu.dma_semaphore, #tpu.memory_space<semaphore_mem>>
      %dma_start3A_59 = arith.constant 0 : i32
      %dma_start3A_60 = arith.constant 0 : i32
      %dma_start3A_61 = tpu.memref_slice %arg13[%dma_start3A_59, %dma_start3A_60] : memref<10000x128xf32, #tpu.memory_space<vmem_shared>> -> memref<10000x128xf32, #tpu.memory_space<vmem_shared>>
      tpu.enqueue_indirect_dma source(%arg10 : memref<40x128xf32, #tpu.memory_space<vmem>>) target(%dma_start3A_61 : memref<10000x128xf32, #tpu.memory_space<vmem_shared>>) offsets(%arg7 : memref<40xi32, #tpu.memory_space<vmem>>) semaphore(%run_scoped3A : memref<!tpu.dma_semaphore, #tpu.memory_space<semaphore_mem>>) {add = true}
      %dma_wait3A_62 = arith.constant 0 : i32
      %dma_wait3A_63 = arith.constant 0 : i32
      %dma_wait3A_64 = tpu.memref_slice %arg13[%dma_wait3A_62, %dma_wait3A_63] : memref<10000x128xf32, #tpu.memory_space<vmem_shared>> -> memref<10000x128xf32, #tpu.memory_space<vmem_shared>>
      tpu.wait_indirect_dma semaphore(%run_scoped3A : memref<!tpu.dma_semaphore, #tpu.memory_space<semaphore_mem>>) src(%arg10 : memref<40x128xf32, #tpu.memory_space<vmem>>) dst(%dma_wait3A_64 : memref<10000x128xf32, #tpu.memory_space<vmem_shared>>)
      tpu.yield
    }) : () -> ()
    %barrier3A_48 = arith.constant 0 : index
    tpu.barrier barrier_id(%barrier3A_48)
    %lt3A_49 = arith.constant 15 : i32
    %lt3A_50 = arith.cmpi slt, %arg1, %lt3A_49 : i32
    %convert_element_type3A_51 = arith.extui %lt3A_50 : i1 to i32
    %cond3A_52 = arith.constant 0 : i32
    %cond3A_53 = arith.cmpi ne, %convert_element_type3A_51, %cond3A_52 : i32
    scf.if %cond3A_53 {
      %mul3A_59 = arith.constant 624 : i32
      %mul3A_60 = arith.muli %arg1, %mul3A_59 : i32
      "tpu.region"() ({
        %run_scoped3A = tpu.sem_alloc : memref<!tpu.dma_semaphore, #tpu.memory_space<semaphore_mem>>
        %dma_start3A_61 = arith.constant 0 : i32
        %dma_start3A_62 = tpu.memref_slice %arg5[%arg0, %mul3A_60, %dma_start3A_61] : memref<2x10000x128xf32, #tpu.memory_space<hbm>> -> memref<1x624x128xf32, #tpu.memory_space<hbm>>
        %dma_start3A_63 = tpu.memref_squeeze %dma_start3A_62 : memref<1x624x128xf32, #tpu.memory_space<hbm>> -> memref<624x128xf32, #tpu.memory_space<hbm>>
        %dma_start3A_64 = arith.constant 0 : i32
        %dma_start3A_65 = tpu.memref_slice %arg13[%mul3A_60, %dma_start3A_64] : memref<10000x128xf32, #tpu.memory_space<vmem_shared>> -> memref<624x128xf32, #tpu.memory_space<vmem_shared>>
        tpu.enqueue_dma source(%dma_start3A_65 : memref<624x128xf32, #tpu.memory_space<vmem_shared>>) target(%dma_start3A_63 : memref<624x128xf32, #tpu.memory_space<hbm>>) target_semaphore(%run_scoped3A : memref<!tpu.dma_semaphore, #tpu.memory_space<semaphore_mem>>)
        %dma_wait3A_66 = arith.constant 0 : i32
        %dma_wait3A_67 = tpu.memref_slice %arg5[%arg0, %mul3A_60, %dma_wait3A_66] : memref<2x10000x128xf32, #tpu.memory_space<hbm>> -> memref<1x624x128xf32, #tpu.memory_space<hbm>>
        %dma_wait3A_68 = tpu.memref_squeeze %dma_wait3A_67 : memref<1x624x128xf32, #tpu.memory_space<hbm>> -> memref<624x128xf32, #tpu.memory_space<hbm>>
        %dma_wait3A_69 = arith.constant 0 : i32
        %dma_wait3A_70 = tpu.memref_slice %arg13[%mul3A_60, %dma_wait3A_69] : memref<10000x128xf32, #tpu.memory_space<vmem_shared>> -> memref<624x128xf32, #tpu.memory_space<vmem_shared>>
        tpu.wait_dma2 semaphore(%run_scoped3A : memref<!tpu.dma_semaphore, #tpu.memory_space<semaphore_mem>>) src(%dma_wait3A_70 : memref<624x128xf32, #tpu.memory_space<vmem_shared>>) dst(%dma_wait3A_68 : memref<624x128xf32, #tpu.memory_space<hbm>>)
        tpu.yield
      }) : () -> ()
    } else {
    }
    %eq3A_54 = arith.constant 15 : i32
    %eq3A_55 = arith.cmpi eq, %arg1, %eq3A_54 : i32
    %convert_element_type3A_56 = arith.extui %eq3A_55 : i1 to i32
    %cond3A_57 = arith.constant 0 : i32
    %cond3A_58 = arith.cmpi ne, %convert_element_type3A_56, %cond3A_57 : i32
    scf.if %cond3A_58 {
      "tpu.region"() ({
        %run_scoped3A = tpu.sem_alloc : memref<!tpu.dma_semaphore, #tpu.memory_space<semaphore_mem>>
        %dma_start3A_59 = arith.constant 9360 : i32
        %dma_start3A_60 = arith.constant 0 : i32
        %dma_start3A_61 = tpu.memref_slice %arg5[%arg0, %dma_start3A_59, %dma_start3A_60] : memref<2x10000x128xf32, #tpu.memory_space<hbm>> -> memref<1x640x128xf32, #tpu.memory_space<hbm>>
        %dma_start3A_62 = tpu.memref_squeeze %dma_start3A_61 : memref<1x640x128xf32, #tpu.memory_space<hbm>> -> memref<640x128xf32, #tpu.memory_space<hbm>>
        %dma_start3A_63 = arith.constant 9360 : i32
        %dma_start3A_64 = arith.constant 0 : i32
        %dma_start3A_65 = tpu.memref_slice %arg13[%dma_start3A_63, %dma_start3A_64] : memref<10000x128xf32, #tpu.memory_space<vmem_shared>> -> memref<640x128xf32, #tpu.memory_space<vmem_shared>>
        tpu.enqueue_dma source(%dma_start3A_65 : memref<640x128xf32, #tpu.memory_space<vmem_shared>>) target(%dma_start3A_62 : memref<640x128xf32, #tpu.memory_space<hbm>>) target_semaphore(%run_scoped3A : memref<!tpu.dma_semaphore, #tpu.memory_space<semaphore_mem>>)
        %dma_wait3A_66 = arith.constant 9360 : i32
        %dma_wait3A_67 = arith.constant 0 : i32
        %dma_wait3A_68 = tpu.memref_slice %arg5[%arg0, %dma_wait3A_66, %dma_wait3A_67] : memref<2x10000x128xf32, #tpu.memory_space<hbm>> -> memref<1x640x128xf32, #tpu.memory_space<hbm>>
        %dma_wait3A_69 = tpu.memref_squeeze %dma_wait3A_68 : memref<1x640x128xf32, #tpu.memory_space<hbm>> -> memref<640x128xf32, #tpu.memory_space<hbm>>
        %dma_wait3A_70 = arith.constant 9360 : i32
        %dma_wait3A_71 = arith.constant 0 : i32
        %dma_wait3A_72 = tpu.memref_slice %arg13[%dma_wait3A_70, %dma_wait3A_71] : memref<10000x128xf32, #tpu.memory_space<vmem_shared>> -> memref<640x128xf32, #tpu.memory_space<vmem_shared>>
        tpu.wait_dma2 semaphore(%run_scoped3A : memref<!tpu.dma_semaphore, #tpu.memory_space<semaphore_mem>>) src(%dma_wait3A_72 : memref<640x128xf32, #tpu.memory_space<vmem_shared>>) dst(%dma_wait3A_69 : memref<640x128xf32, #tpu.memory_space<hbm>>)
        tpu.yield
      }) : () -> ()
    } else {
    }
    return
  }
}

#map = affine_map<(d0, d1) -> (0, 0, 0)>
#map1 = affine_map<(d0, d1) -> (0, 0)>
module attributes {stable_mosaic.version = 14 : i64} {
  func.func @_hist_body(%arg0: i32, %arg1: i32, %arg2: memref<32x250x40xi32, #tpu.memory_space<hbm>>, %arg3: memref<10000x128xf32, #tpu.memory_space<hbm>>, %arg4: memref<40x128xf32, #tpu.memory_space<hbm>>, %arg5: memref<2x10000x128xf32, #tpu.memory_space<hbm>>, %arg6: memref<250x40xi32, #tpu.memory_space<vmem>>, %arg7: memref<40x128xf32, #tpu.memory_space<vmem>>, %arg8: memref<10000x128xf32, #tpu.memory_space<vmem_shared>>, %arg9: memref<!tpu.dma_semaphore, #tpu.memory_space<semaphore_mem>>) attributes {dimension_semantics = [#tpu.dimension_semantics<core_parallel>, #tpu.dimension_semantics<subcore_parallel>], iteration_bounds = array<i64: 2, 16>, scalar_prefetch = 0 : i64, scratch_operands = 4 : i64, tpu.core_type = #tpu.core_type<sc_vector_subcore>, window_params = [{transform_indices = #map}, {transform_indices = #map1}, {transform_indices = #map1}, {transform_indices = #map}]} {
    %mul3A = arith.constant 16 : i32
    %mul3A_0 = arith.muli %arg0, %mul3A : i32
    %add3A = arith.addi %mul3A_0, %arg1 : i32
    "tpu.region"() ({
      %run_scoped3A = tpu.sem_alloc : memref<!tpu.dma_semaphore, #tpu.memory_space<semaphore_mem>>
      tpu.enqueue_dma source(%arg4 : memref<40x128xf32, #tpu.memory_space<hbm>>) target(%arg7 : memref<40x128xf32, #tpu.memory_space<vmem>>) target_semaphore(%run_scoped3A : memref<!tpu.dma_semaphore, #tpu.memory_space<semaphore_mem>>)
      tpu.wait_dma2 semaphore(%run_scoped3A : memref<!tpu.dma_semaphore, #tpu.memory_space<semaphore_mem>>) src(%arg4 : memref<40x128xf32, #tpu.memory_space<hbm>>) dst(%arg7 : memref<40x128xf32, #tpu.memory_space<vmem>>)
      tpu.yield
    }) : () -> ()
    "tpu.region"() ({
      %run_scoped3A = tpu.sem_alloc : memref<!tpu.dma_semaphore, #tpu.memory_space<semaphore_mem>>
      %dma_start3A = arith.constant 0 : i32
      %dma_start3A_27 = arith.constant 0 : i32
      %dma_start3A_28 = tpu.memref_slice %arg2[%add3A, %dma_start3A, %dma_start3A_27] : memref<32x250x40xi32, #tpu.memory_space<hbm>> -> memref<1x250x40xi32, #tpu.memory_space<hbm>>
      %dma_start3A_29 = tpu.memref_squeeze %dma_start3A_28 : memref<1x250x40xi32, #tpu.memory_space<hbm>> -> memref<250x40xi32, #tpu.memory_space<hbm>>
      %dma_start3A_30 = arith.constant 0 : i32
      %dma_start3A_31 = arith.constant 0 : i32
      %dma_start3A_32 = tpu.memref_slice %arg2[%add3A, %dma_start3A_30, %dma_start3A_31] : memref<32x250x40xi32, #tpu.memory_space<hbm>> -> memref<1x250x40xi32, #tpu.memory_space<hbm>>
      %dma_start3A_33 = tpu.memref_squeeze %dma_start3A_32 : memref<1x250x40xi32, #tpu.memory_space<hbm>> -> memref<250x40xi32, #tpu.memory_space<hbm>>
      tpu.enqueue_dma source(%dma_start3A_33 : memref<250x40xi32, #tpu.memory_space<hbm>>) target(%arg6 : memref<250x40xi32, #tpu.memory_space<vmem>>) target_semaphore(%run_scoped3A : memref<!tpu.dma_semaphore, #tpu.memory_space<semaphore_mem>>)
      %dma_wait3A = arith.constant 0 : i32
      %dma_wait3A_34 = arith.constant 0 : i32
      %dma_wait3A_35 = tpu.memref_slice %arg2[%add3A, %dma_wait3A, %dma_wait3A_34] : memref<32x250x40xi32, #tpu.memory_space<hbm>> -> memref<1x250x40xi32, #tpu.memory_space<hbm>>
      %dma_wait3A_36 = tpu.memref_squeeze %dma_wait3A_35 : memref<1x250x40xi32, #tpu.memory_space<hbm>> -> memref<250x40xi32, #tpu.memory_space<hbm>>
      %dma_wait3A_37 = arith.constant 0 : i32
      %dma_wait3A_38 = arith.constant 0 : i32
      %dma_wait3A_39 = tpu.memref_slice %arg2[%add3A, %dma_wait3A_37, %dma_wait3A_38] : memref<32x250x40xi32, #tpu.memory_space<hbm>> -> memref<1x250x40xi32, #tpu.memory_space<hbm>>
      %dma_wait3A_40 = tpu.memref_squeeze %dma_wait3A_39 : memref<1x250x40xi32, #tpu.memory_space<hbm>> -> memref<250x40xi32, #tpu.memory_space<hbm>>
      tpu.wait_dma2 semaphore(%run_scoped3A : memref<!tpu.dma_semaphore, #tpu.memory_space<semaphore_mem>>) src(%dma_wait3A_40 : memref<250x40xi32, #tpu.memory_space<hbm>>) dst(%arg6 : memref<250x40xi32, #tpu.memory_space<vmem>>)
      tpu.yield
    }) : () -> ()
    %lt3A = arith.constant 15 : i32
    %lt3A_1 = arith.cmpi slt, %arg1, %lt3A : i32
    %convert_element_type3A = arith.extui %lt3A_1 : i1 to i32
    %cond3A = arith.constant 0 : i32
    %cond3A_2 = arith.cmpi ne, %convert_element_type3A, %cond3A : i32
    scf.if %cond3A_2 {
      %mul3A_27 = arith.constant 624 : i32
      %mul3A_28 = arith.muli %arg1, %mul3A_27 : i32
      "tpu.region"() ({
        %run_scoped3A = tpu.sem_alloc : memref<!tpu.dma_semaphore, #tpu.memory_space<semaphore_mem>>
        %dma_start3A = arith.constant 0 : i32
        %dma_start3A_29 = tpu.memref_slice %arg8[%mul3A_28, %dma_start3A] : memref<10000x128xf32, #tpu.memory_space<vmem_shared>> -> memref<624x128xf32, #tpu.memory_space<vmem_shared>>
        %dma_start3A_30 = arith.constant 0 : i32
        %dma_start3A_31 = tpu.memref_slice %arg3[%mul3A_28, %dma_start3A_30] : memref<10000x128xf32, #tpu.memory_space<hbm>> -> memref<624x128xf32, #tpu.memory_space<hbm>>
        tpu.enqueue_dma source(%dma_start3A_31 : memref<624x128xf32, #tpu.memory_space<hbm>>) target(%dma_start3A_29 : memref<624x128xf32, #tpu.memory_space<vmem_shared>>) target_semaphore(%run_scoped3A : memref<!tpu.dma_semaphore, #tpu.memory_space<semaphore_mem>>)
        %dma_wait3A = arith.constant 0 : i32
        %dma_wait3A_32 = tpu.memref_slice %arg8[%mul3A_28, %dma_wait3A] : memref<10000x128xf32, #tpu.memory_space<vmem_shared>> -> memref<624x128xf32, #tpu.memory_space<vmem_shared>>
        %dma_wait3A_33 = arith.constant 0 : i32
        %dma_wait3A_34 = tpu.memref_slice %arg3[%mul3A_28, %dma_wait3A_33] : memref<10000x128xf32, #tpu.memory_space<hbm>> -> memref<624x128xf32, #tpu.memory_space<hbm>>
        tpu.wait_dma2 semaphore(%run_scoped3A : memref<!tpu.dma_semaphore, #tpu.memory_space<semaphore_mem>>) src(%dma_wait3A_34 : memref<624x128xf32, #tpu.memory_space<hbm>>) dst(%dma_wait3A_32 : memref<624x128xf32, #tpu.memory_space<vmem_shared>>)
        tpu.yield
      }) : () -> ()
    } else {
    }
    %eq3A = arith.constant 15 : i32
    %eq3A_3 = arith.cmpi eq, %arg1, %eq3A : i32
    %convert_element_type3A_4 = arith.extui %eq3A_3 : i1 to i32
    %cond3A_5 = arith.constant 0 : i32
    %cond3A_6 = arith.cmpi ne, %convert_element_type3A_4, %cond3A_5 : i32
    scf.if %cond3A_6 {
      "tpu.region"() ({
        %run_scoped3A = tpu.sem_alloc : memref<!tpu.dma_semaphore, #tpu.memory_space<semaphore_mem>>
        %dma_start3A = arith.constant 9360 : i32
        %dma_start3A_27 = arith.constant 0 : i32
        %dma_start3A_28 = tpu.memref_slice %arg8[%dma_start3A, %dma_start3A_27] : memref<10000x128xf32, #tpu.memory_space<vmem_shared>> -> memref<640x128xf32, #tpu.memory_space<vmem_shared>>
        %dma_start3A_29 = arith.constant 9360 : i32
        %dma_start3A_30 = arith.constant 0 : i32
        %dma_start3A_31 = tpu.memref_slice %arg3[%dma_start3A_29, %dma_start3A_30] : memref<10000x128xf32, #tpu.memory_space<hbm>> -> memref<640x128xf32, #tpu.memory_space<hbm>>
        tpu.enqueue_dma source(%dma_start3A_31 : memref<640x128xf32, #tpu.memory_space<hbm>>) target(%dma_start3A_28 : memref<640x128xf32, #tpu.memory_space<vmem_shared>>) target_semaphore(%run_scoped3A : memref<!tpu.dma_semaphore, #tpu.memory_space<semaphore_mem>>)
        %dma_wait3A = arith.constant 9360 : i32
        %dma_wait3A_32 = arith.constant 0 : i32
        %dma_wait3A_33 = tpu.memref_slice %arg8[%dma_wait3A, %dma_wait3A_32] : memref<10000x128xf32, #tpu.memory_space<vmem_shared>> -> memref<640x128xf32, #tpu.memory_space<vmem_shared>>
        %dma_wait3A_34 = arith.constant 9360 : i32
        %dma_wait3A_35 = arith.constant 0 : i32
        %dma_wait3A_36 = tpu.memref_slice %arg3[%dma_wait3A_34, %dma_wait3A_35] : memref<10000x128xf32, #tpu.memory_space<hbm>> -> memref<640x128xf32, #tpu.memory_space<hbm>>
        tpu.wait_dma2 semaphore(%run_scoped3A : memref<!tpu.dma_semaphore, #tpu.memory_space<semaphore_mem>>) src(%dma_wait3A_36 : memref<640x128xf32, #tpu.memory_space<hbm>>) dst(%dma_wait3A_33 : memref<640x128xf32, #tpu.memory_space<vmem_shared>>)
        tpu.yield
      }) : () -> ()
    } else {
    }
    %barrier3A = arith.constant 0 : index
    tpu.barrier barrier_id(%barrier3A)
    %scan3A = arith.constant 0 : i32
    %scan3A_7 = arith.constant 250 : i32
    %scan3A_8 = arith.addi %scan3A, %scan3A_7 : i32
    %scan3A_9 = arith.constant 1 : i32
    scf.for %scan3A_27 = %scan3A to %scan3A_8 step %scan3A_9  : i32 {
      %mul3A_28 = arith.constant 1 : i32
      %mul3A_29 = arith.muli %scan3A_27, %mul3A_28 : i32
      %add3A_30 = arith.constant 0 : i32
      %add3A_31 = arith.addi %add3A_30, %mul3A_29 : i32
      %dma_start3A = arith.constant 0 : i32
      %dma_start3A_32 = tpu.memref_slice %arg6[%add3A_31, %dma_start3A] : memref<250x40xi32, #tpu.memory_space<vmem>> -> memref<1x40xi32, #tpu.memory_space<vmem>>
      %dma_start3A_33 = tpu.memref_squeeze %dma_start3A_32 : memref<1x40xi32, #tpu.memory_space<vmem>> -> memref<40xi32, #tpu.memory_space<vmem>>
      %dma_start3A_34 = arith.constant 0 : i32
      %dma_start3A_35 = arith.constant 0 : i32
      %dma_start3A_36 = tpu.memref_slice %arg8[%dma_start3A_34, %dma_start3A_35] : memref<10000x128xf32, #tpu.memory_space<vmem_shared>> -> memref<10000x128xf32, #tpu.memory_space<vmem_shared>>
      tpu.enqueue_indirect_dma source(%arg7 : memref<40x128xf32, #tpu.memory_space<vmem>>) target(%dma_start3A_36 : memref<10000x128xf32, #tpu.memory_space<vmem_shared>>) offsets(%dma_start3A_33 : memref<40xi32, #tpu.memory_space<vmem>>) semaphore(%arg9 : memref<!tpu.dma_semaphore, #tpu.memory_space<semaphore_mem>>) {add = true}
    }
    %scan3A_10 = arith.constant 250 : i32
    %scan3A_11 = arith.constant 0 : i32
    %scan3A_12 = arith.constant 250 : i32
    %scan3A_13 = arith.addi %scan3A_11, %scan3A_12 : i32
    %scan3A_14 = arith.constant 1 : i32
    scf.for %scan3A_27 = %scan3A_11 to %scan3A_13 step %scan3A_14  : i32 {
      %mul3A_28 = arith.constant 1 : i32
      %mul3A_29 = arith.muli %scan3A_27, %mul3A_28 : i32
      %add3A_30 = arith.constant 0 : i32
      %add3A_31 = arith.addi %add3A_30, %mul3A_29 : i32
      %dma_wait3A = arith.constant 0 : i32
      %dma_wait3A_32 = tpu.memref_slice %arg6[%add3A_31, %dma_wait3A] : memref<250x40xi32, #tpu.memory_space<vmem>> -> memref<1x40xi32, #tpu.memory_space<vmem>>
      %dma_wait3A_33 = tpu.memref_squeeze %dma_wait3A_32 : memref<1x40xi32, #tpu.memory_space<vmem>> -> memref<40xi32, #tpu.memory_space<vmem>>
      %dma_wait3A_34 = arith.constant 0 : i32
      %dma_wait3A_35 = arith.constant 0 : i32
      %dma_wait3A_36 = tpu.memref_slice %arg8[%dma_wait3A_34, %dma_wait3A_35] : memref<10000x128xf32, #tpu.memory_space<vmem_shared>> -> memref<10000x128xf32, #tpu.memory_space<vmem_shared>>
      tpu.wait_indirect_dma semaphore(%arg9 : memref<!tpu.dma_semaphore, #tpu.memory_space<semaphore_mem>>) src(%arg7 : memref<40x128xf32, #tpu.memory_space<vmem>>) dst(%dma_wait3A_36 : memref<10000x128xf32, #tpu.memory_space<vmem_shared>>)
    }
    %scan3A_15 = arith.constant 250 : i32
    %barrier3A_16 = arith.constant 0 : index
    tpu.barrier barrier_id(%barrier3A_16)
    %lt3A_17 = arith.constant 15 : i32
    %lt3A_18 = arith.cmpi slt, %arg1, %lt3A_17 : i32
    %convert_element_type3A_19 = arith.extui %lt3A_18 : i1 to i32
    %cond3A_20 = arith.constant 0 : i32
    %cond3A_21 = arith.cmpi ne, %convert_element_type3A_19, %cond3A_20 : i32
    scf.if %cond3A_21 {
      %mul3A_27 = arith.constant 624 : i32
      %mul3A_28 = arith.muli %arg1, %mul3A_27 : i32
      "tpu.region"() ({
        %run_scoped3A = tpu.sem_alloc : memref<!tpu.dma_semaphore, #tpu.memory_space<semaphore_mem>>
        %dma_start3A = arith.constant 0 : i32
        %dma_start3A_29 = tpu.memref_slice %arg5[%arg0, %mul3A_28, %dma_start3A] : memref<2x10000x128xf32, #tpu.memory_space<hbm>> -> memref<1x624x128xf32, #tpu.memory_space<hbm>>
        %dma_start3A_30 = tpu.memref_squeeze %dma_start3A_29 : memref<1x624x128xf32, #tpu.memory_space<hbm>> -> memref<624x128xf32, #tpu.memory_space<hbm>>
        %dma_start3A_31 = arith.constant 0 : i32
        %dma_start3A_32 = tpu.memref_slice %arg8[%mul3A_28, %dma_start3A_31] : memref<10000x128xf32, #tpu.memory_space<vmem_shared>> -> memref<624x128xf32, #tpu.memory_space<vmem_shared>>
        tpu.enqueue_dma source(%dma_start3A_32 : memref<624x128xf32, #tpu.memory_space<vmem_shared>>) target(%dma_start3A_30 : memref<624x128xf32, #tpu.memory_space<hbm>>) target_semaphore(%run_scoped3A : memref<!tpu.dma_semaphore, #tpu.memory_space<semaphore_mem>>)
        %dma_wait3A = arith.constant 0 : i32
        %dma_wait3A_33 = tpu.memref_slice %arg5[%arg0, %mul3A_28, %dma_wait3A] : memref<2x10000x128xf32, #tpu.memory_space<hbm>> -> memref<1x624x128xf32, #tpu.memory_space<hbm>>
        %dma_wait3A_34 = tpu.memref_squeeze %dma_wait3A_33 : memref<1x624x128xf32, #tpu.memory_space<hbm>> -> memref<624x128xf32, #tpu.memory_space<hbm>>
        %dma_wait3A_35 = arith.constant 0 : i32
        %dma_wait3A_36 = tpu.memref_slice %arg8[%mul3A_28, %dma_wait3A_35] : memref<10000x128xf32, #tpu.memory_space<vmem_shared>> -> memref<624x128xf32, #tpu.memory_space<vmem_shared>>
        tpu.wait_dma2 semaphore(%run_scoped3A : memref<!tpu.dma_semaphore, #tpu.memory_space<semaphore_mem>>) src(%dma_wait3A_36 : memref<624x128xf32, #tpu.memory_space<vmem_shared>>) dst(%dma_wait3A_34 : memref<624x128xf32, #tpu.memory_space<hbm>>)
        tpu.yield
      }) : () -> ()
    } else {
    }
    %eq3A_22 = arith.constant 15 : i32
    %eq3A_23 = arith.cmpi eq, %arg1, %eq3A_22 : i32
    %convert_element_type3A_24 = arith.extui %eq3A_23 : i1 to i32
    %cond3A_25 = arith.constant 0 : i32
    %cond3A_26 = arith.cmpi ne, %convert_element_type3A_24, %cond3A_25 : i32
    scf.if %cond3A_26 {
      "tpu.region"() ({
        %run_scoped3A = tpu.sem_alloc : memref<!tpu.dma_semaphore, #tpu.memory_space<semaphore_mem>>
        %dma_start3A = arith.constant 9360 : i32
        %dma_start3A_27 = arith.constant 0 : i32
        %dma_start3A_28 = tpu.memref_slice %arg5[%arg0, %dma_start3A, %dma_start3A_27] : memref<2x10000x128xf32, #tpu.memory_space<hbm>> -> memref<1x640x128xf32, #tpu.memory_space<hbm>>
        %dma_start3A_29 = tpu.memref_squeeze %dma_start3A_28 : memref<1x640x128xf32, #tpu.memory_space<hbm>> -> memref<640x128xf32, #tpu.memory_space<hbm>>
        %dma_start3A_30 = arith.constant 9360 : i32
        %dma_start3A_31 = arith.constant 0 : i32
        %dma_start3A_32 = tpu.memref_slice %arg8[%dma_start3A_30, %dma_start3A_31] : memref<10000x128xf32, #tpu.memory_space<vmem_shared>> -> memref<640x128xf32, #tpu.memory_space<vmem_shared>>
        tpu.enqueue_dma source(%dma_start3A_32 : memref<640x128xf32, #tpu.memory_space<vmem_shared>>) target(%dma_start3A_29 : memref<640x128xf32, #tpu.memory_space<hbm>>) target_semaphore(%run_scoped3A : memref<!tpu.dma_semaphore, #tpu.memory_space<semaphore_mem>>)
        %dma_wait3A = arith.constant 9360 : i32
        %dma_wait3A_33 = arith.constant 0 : i32
        %dma_wait3A_34 = tpu.memref_slice %arg5[%arg0, %dma_wait3A, %dma_wait3A_33] : memref<2x10000x128xf32, #tpu.memory_space<hbm>> -> memref<1x640x128xf32, #tpu.memory_space<hbm>>
        %dma_wait3A_35 = tpu.memref_squeeze %dma_wait3A_34 : memref<1x640x128xf32, #tpu.memory_space<hbm>> -> memref<640x128xf32, #tpu.memory_space<hbm>>
        %dma_wait3A_36 = arith.constant 9360 : i32
        %dma_wait3A_37 = arith.constant 0 : i32
        %dma_wait3A_38 = tpu.memref_slice %arg8[%dma_wait3A_36, %dma_wait3A_37] : memref<10000x128xf32, #tpu.memory_space<vmem_shared>> -> memref<640x128xf32, #tpu.memory_space<vmem_shared>>
        tpu.wait_dma2 semaphore(%run_scoped3A : memref<!tpu.dma_semaphore, #tpu.memory_space<semaphore_mem>>) src(%dma_wait3A_38 : memref<640x128xf32, #tpu.memory_space<vmem_shared>>) dst(%dma_wait3A_35 : memref<640x128xf32, #tpu.memory_space<hbm>>)
        tpu.yield
      }) : () -> ()
    } else {
    }
    return
  }
}

#map = affine_map<(d0, d1) -> (0, 0)>
#map1 = affine_map<(d0, d1) -> (0, 0, 0)>
#map2 = affine_map<(d0, d1) -> (0)>
module attributes {stable_mosaic.version = 14 : i64} {
  func.func @_edge_body(%arg0: i32, %arg1: i32, %arg2: memref<10000x128xf32, #tpu.memory_space<hbm>>, %arg3: memref<32x250x40xi32, #tpu.memory_space<hbm>>, %arg4: memref<320000xi32, #tpu.memory_space<hbm>>, %arg5: memref<2x10000x128xf32, #tpu.memory_space<hbm>>, %arg6: memref<250x40xi32, #tpu.memory_space<vmem>>, %arg7: memref<40xi32, #tpu.memory_space<vmem>>, %arg8: memref<40xi32, #tpu.memory_space<vmem>>, %arg9: memref<40xi32, #tpu.memory_space<vmem>>, %arg10: memref<40x128xf32, #tpu.memory_space<vmem>>, %arg11: memref<40x128xf32, #tpu.memory_space<vmem>>, %arg12: memref<40x128xf32, #tpu.memory_space<vmem>>, %arg13: memref<10000x128xf32, #tpu.memory_space<vmem_shared>>, %arg14: memref<!tpu.dma_semaphore, #tpu.memory_space<semaphore_mem>>, %arg15: memref<!tpu.dma_semaphore, #tpu.memory_space<semaphore_mem>>, %arg16: memref<!tpu.dma_semaphore, #tpu.memory_space<semaphore_mem>>, %arg17: memref<!tpu.dma_semaphore, #tpu.memory_space<semaphore_mem>>, %arg18: memref<!tpu.dma_semaphore, #tpu.memory_space<semaphore_mem>>, %arg19: memref<!tpu.dma_semaphore, #tpu.memory_space<semaphore_mem>>) attributes {dimension_semantics = [#tpu.dimension_semantics<core_parallel>, #tpu.dimension_semantics<subcore_parallel>], iteration_bounds = array<i64: 2, 16>, scalar_prefetch = 0 : i64, scratch_operands = 14 : i64, tpu.core_type = #tpu.core_type<sc_vector_subcore>, window_params = [{transform_indices = #map}, {transform_indices = #map1}, {transform_indices = #map2}, {transform_indices = #map1}]} {
    %mul3A = arith.constant 16 : i32
    %mul3A_0 = arith.muli %arg0, %mul3A : i32
    %add3A = arith.addi %mul3A_0, %arg1 : i32
    %lt3A = arith.constant 15 : i32
    %lt3A_1 = arith.cmpi slt, %arg1, %lt3A : i32
    %convert_element_type3A = arith.extui %lt3A_1 : i1 to i32
    %cond3A = arith.constant 0 : i32
    %cond3A_2 = arith.cmpi ne, %convert_element_type3A, %cond3A : i32
    scf.if %cond3A_2 {
      %mul3A_59 = arith.constant 624 : i32
      %mul3A_60 = arith.muli %arg1, %mul3A_59 : i32
      "tpu.region"() ({
        %run_scoped3A = tpu.sem_alloc : memref<!tpu.dma_semaphore, #tpu.memory_space<semaphore_mem>>
        %dma_start3A_61 = arith.constant 0 : i32
        %dma_start3A_62 = tpu.memref_slice %arg13[%mul3A_60, %dma_start3A_61] : memref<10000x128xf32, #tpu.memory_space<vmem_shared>> -> memref<624x128xf32, #tpu.memory_space<vmem_shared>>
        %dma_start3A_63 = arith.constant 0 : i32
        %dma_start3A_64 = tpu.memref_slice %arg2[%mul3A_60, %dma_start3A_63] : memref<10000x128xf32, #tpu.memory_space<hbm>> -> memref<624x128xf32, #tpu.memory_space<hbm>>
        tpu.enqueue_dma source(%dma_start3A_64 : memref<624x128xf32, #tpu.memory_space<hbm>>) target(%dma_start3A_62 : memref<624x128xf32, #tpu.memory_space<vmem_shared>>) target_semaphore(%run_scoped3A : memref<!tpu.dma_semaphore, #tpu.memory_space<semaphore_mem>>)
        %dma_wait3A_65 = arith.constant 0 : i32
        %dma_wait3A_66 = tpu.memref_slice %arg13[%mul3A_60, %dma_wait3A_65] : memref<10000x128xf32, #tpu.memory_space<vmem_shared>> -> memref<624x128xf32, #tpu.memory_space<vmem_shared>>
        %dma_wait3A_67 = arith.constant 0 : i32
        %dma_wait3A_68 = tpu.memref_slice %arg2[%mul3A_60, %dma_wait3A_67] : memref<10000x128xf32, #tpu.memory_space<hbm>> -> memref<624x128xf32, #tpu.memory_space<hbm>>
        tpu.wait_dma2 semaphore(%run_scoped3A : memref<!tpu.dma_semaphore, #tpu.memory_space<semaphore_mem>>) src(%dma_wait3A_68 : memref<624x128xf32, #tpu.memory_space<hbm>>) dst(%dma_wait3A_66 : memref<624x128xf32, #tpu.memory_space<vmem_shared>>)
        tpu.yield
      }) : () -> ()
    } else {
    }
    %eq3A = arith.constant 15 : i32
    %eq3A_3 = arith.cmpi eq, %arg1, %eq3A : i32
    %convert_element_type3A_4 = arith.extui %eq3A_3 : i1 to i32
    %cond3A_5 = arith.constant 0 : i32
    %cond3A_6 = arith.cmpi ne, %convert_element_type3A_4, %cond3A_5 : i32
    scf.if %cond3A_6 {
      "tpu.region"() ({
        %run_scoped3A = tpu.sem_alloc : memref<!tpu.dma_semaphore, #tpu.memory_space<semaphore_mem>>
        %dma_start3A_59 = arith.constant 9360 : i32
        %dma_start3A_60 = arith.constant 0 : i32
        %dma_start3A_61 = tpu.memref_slice %arg13[%dma_start3A_59, %dma_start3A_60] : memref<10000x128xf32, #tpu.memory_space<vmem_shared>> -> memref<640x128xf32, #tpu.memory_space<vmem_shared>>
        %dma_start3A_62 = arith.constant 9360 : i32
        %dma_start3A_63 = arith.constant 0 : i32
        %dma_start3A_64 = tpu.memref_slice %arg2[%dma_start3A_62, %dma_start3A_63] : memref<10000x128xf32, #tpu.memory_space<hbm>> -> memref<640x128xf32, #tpu.memory_space<hbm>>
        tpu.enqueue_dma source(%dma_start3A_64 : memref<640x128xf32, #tpu.memory_space<hbm>>) target(%dma_start3A_61 : memref<640x128xf32, #tpu.memory_space<vmem_shared>>) target_semaphore(%run_scoped3A : memref<!tpu.dma_semaphore, #tpu.memory_space<semaphore_mem>>)
        %dma_wait3A_65 = arith.constant 9360 : i32
        %dma_wait3A_66 = arith.constant 0 : i32
        %dma_wait3A_67 = tpu.memref_slice %arg13[%dma_wait3A_65, %dma_wait3A_66] : memref<10000x128xf32, #tpu.memory_space<vmem_shared>> -> memref<640x128xf32, #tpu.memory_space<vmem_shared>>
        %dma_wait3A_68 = arith.constant 9360 : i32
        %dma_wait3A_69 = arith.constant 0 : i32
        %dma_wait3A_70 = tpu.memref_slice %arg2[%dma_wait3A_68, %dma_wait3A_69] : memref<10000x128xf32, #tpu.memory_space<hbm>> -> memref<640x128xf32, #tpu.memory_space<hbm>>
        tpu.wait_dma2 semaphore(%run_scoped3A : memref<!tpu.dma_semaphore, #tpu.memory_space<semaphore_mem>>) src(%dma_wait3A_70 : memref<640x128xf32, #tpu.memory_space<hbm>>) dst(%dma_wait3A_67 : memref<640x128xf32, #tpu.memory_space<vmem_shared>>)
        tpu.yield
      }) : () -> ()
    } else {
    }
    "tpu.region"() ({
      %run_scoped3A = tpu.sem_alloc : memref<!tpu.dma_semaphore, #tpu.memory_space<semaphore_mem>>
      %dma_start3A_59 = arith.constant 0 : i32
      %dma_start3A_60 = arith.constant 0 : i32
      %dma_start3A_61 = tpu.memref_slice %arg3[%add3A, %dma_start3A_59, %dma_start3A_60] : memref<32x250x40xi32, #tpu.memory_space<hbm>> -> memref<1x250x40xi32, #tpu.memory_space<hbm>>
      %dma_start3A_62 = tpu.memref_squeeze %dma_start3A_61 : memref<1x250x40xi32, #tpu.memory_space<hbm>> -> memref<250x40xi32, #tpu.memory_space<hbm>>
      %dma_start3A_63 = arith.constant 0 : i32
      %dma_start3A_64 = arith.constant 0 : i32
      %dma_start3A_65 = tpu.memref_slice %arg3[%add3A, %dma_start3A_63, %dma_start3A_64] : memref<32x250x40xi32, #tpu.memory_space<hbm>> -> memref<1x250x40xi32, #tpu.memory_space<hbm>>
      %dma_start3A_66 = tpu.memref_squeeze %dma_start3A_65 : memref<1x250x40xi32, #tpu.memory_space<hbm>> -> memref<250x40xi32, #tpu.memory_space<hbm>>
      tpu.enqueue_dma source(%dma_start3A_66 : memref<250x40xi32, #tpu.memory_space<hbm>>) target(%arg6 : memref<250x40xi32, #tpu.memory_space<vmem>>) target_semaphore(%run_scoped3A : memref<!tpu.dma_semaphore, #tpu.memory_space<semaphore_mem>>)
      %dma_wait3A_67 = arith.constant 0 : i32
      %dma_wait3A_68 = arith.constant 0 : i32
      %dma_wait3A_69 = tpu.memref_slice %arg3[%add3A, %dma_wait3A_67, %dma_wait3A_68] : memref<32x250x40xi32, #tpu.memory_space<hbm>> -> memref<1x250x40xi32, #tpu.memory_space<hbm>>
      %dma_wait3A_70 = tpu.memref_squeeze %dma_wait3A_69 : memref<1x250x40xi32, #tpu.memory_space<hbm>> -> memref<250x40xi32, #tpu.memory_space<hbm>>
      %dma_wait3A_71 = arith.constant 0 : i32
      %dma_wait3A_72 = arith.constant 0 : i32
      %dma_wait3A_73 = tpu.memref_slice %arg3[%add3A, %dma_wait3A_71, %dma_wait3A_72] : memref<32x250x40xi32, #tpu.memory_space<hbm>> -> memref<1x250x40xi32, #tpu.memory_space<hbm>>
      %dma_wait3A_74 = tpu.memref_squeeze %dma_wait3A_73 : memref<1x250x40xi32, #tpu.memory_space<hbm>> -> memref<250x40xi32, #tpu.memory_space<hbm>>
      tpu.wait_dma2 semaphore(%run_scoped3A : memref<!tpu.dma_semaphore, #tpu.memory_space<semaphore_mem>>) src(%dma_wait3A_74 : memref<250x40xi32, #tpu.memory_space<hbm>>) dst(%arg6 : memref<250x40xi32, #tpu.memory_space<vmem>>)
      tpu.yield
    }) : () -> ()
    %barrier3A = arith.constant 0 : index
    tpu.barrier barrier_id(%barrier3A)
    %mul3A_7 = arith.constant 10000 : i32
    %mul3A_8 = arith.muli %add3A, %mul3A_7 : i32
    %add3A_9 = arith.constant 0 : i32
    %add3A_10 = arith.addi %mul3A_8, %add3A_9 : i32
    %dma_start3A = tpu.memref_slice %arg4[%add3A_10] : memref<320000xi32, #tpu.memory_space<hbm>> -> memref<40xi32, #tpu.memory_space<hbm>>
    %dma_start3A_11 = tpu.memref_slice %arg4[%add3A_10] : memref<320000xi32, #tpu.memory_space<hbm>> -> memref<40xi32, #tpu.memory_space<hbm>>
    tpu.enqueue_dma source(%dma_start3A_11 : memref<40xi32, #tpu.memory_space<hbm>>) target(%arg7 : memref<40xi32, #tpu.memory_space<vmem>>) target_semaphore(%arg14 : memref<!tpu.dma_semaphore, #tpu.memory_space<semaphore_mem>>)
    %add3A_12 = arith.constant 40 : i32
    %add3A_13 = arith.addi %mul3A_8, %add3A_12 : i32
    %dma_start3A_14 = tpu.memref_slice %arg4[%add3A_13] : memref<320000xi32, #tpu.memory_space<hbm>> -> memref<40xi32, #tpu.memory_space<hbm>>
    %dma_start3A_15 = tpu.memref_slice %arg4[%add3A_13] : memref<320000xi32, #tpu.memory_space<hbm>> -> memref<40xi32, #tpu.memory_space<hbm>>
    tpu.enqueue_dma source(%dma_start3A_15 : memref<40xi32, #tpu.memory_space<hbm>>) target(%arg8 : memref<40xi32, #tpu.memory_space<vmem>>) target_semaphore(%arg15 : memref<!tpu.dma_semaphore, #tpu.memory_space<semaphore_mem>>)
    %add3A_16 = arith.constant 80 : i32
    %add3A_17 = arith.addi %mul3A_8, %add3A_16 : i32
    %dma_start3A_18 = tpu.memref_slice %arg4[%add3A_17] : memref<320000xi32, #tpu.memory_space<hbm>> -> memref<40xi32, #tpu.memory_space<hbm>>
    %dma_start3A_19 = tpu.memref_slice %arg4[%add3A_17] : memref<320000xi32, #tpu.memory_space<hbm>> -> memref<40xi32, #tpu.memory_space<hbm>>
    tpu.enqueue_dma source(%dma_start3A_19 : memref<40xi32, #tpu.memory_space<hbm>>) target(%arg9 : memref<40xi32, #tpu.memory_space<vmem>>) target_semaphore(%arg16 : memref<!tpu.dma_semaphore, #tpu.memory_space<semaphore_mem>>)
    %dma_start3A_20 = arith.constant 0 : i32
    %dma_start3A_21 = arith.constant 0 : i32
    %dma_start3A_22 = tpu.memref_slice %arg6[%dma_start3A_20, %dma_start3A_21] : memref<250x40xi32, #tpu.memory_space<vmem>> -> memref<1x40xi32, #tpu.memory_space<vmem>>
    %dma_start3A_23 = tpu.memref_squeeze %dma_start3A_22 : memref<1x40xi32, #tpu.memory_space<vmem>> -> memref<40xi32, #tpu.memory_space<vmem>>
    %dma_start3A_24 = arith.constant 0 : i32
    %dma_start3A_25 = arith.constant 0 : i32
    %dma_start3A_26 = tpu.memref_slice %arg2[%dma_start3A_24, %dma_start3A_25] : memref<10000x128xf32, #tpu.memory_space<hbm>> -> memref<10000x128xf32, #tpu.memory_space<hbm>>
    tpu.enqueue_indirect_dma source(%dma_start3A_26 : memref<10000x128xf32, #tpu.memory_space<hbm>>) target(%arg10 : memref<40x128xf32, #tpu.memory_space<vmem>>) offsets(%dma_start3A_23 : memref<40xi32, #tpu.memory_space<vmem>>) semaphore(%arg17 : memref<!tpu.dma_semaphore, #tpu.memory_space<semaphore_mem>>)
    %dma_start3A_27 = arith.constant 1 : i32
    %dma_start3A_28 = arith.constant 0 : i32
    %dma_start3A_29 = tpu.memref_slice %arg6[%dma_start3A_27, %dma_start3A_28] : memref<250x40xi32, #tpu.memory_space<vmem>> -> memref<1x40xi32, #tpu.memory_space<vmem>>
    %dma_start3A_30 = tpu.memref_squeeze %dma_start3A_29 : memref<1x40xi32, #tpu.memory_space<vmem>> -> memref<40xi32, #tpu.memory_space<vmem>>
    %dma_start3A_31 = arith.constant 0 : i32
    %dma_start3A_32 = arith.constant 0 : i32
    %dma_start3A_33 = tpu.memref_slice %arg2[%dma_start3A_31, %dma_start3A_32] : memref<10000x128xf32, #tpu.memory_space<hbm>> -> memref<10000x128xf32, #tpu.memory_space<hbm>>
    tpu.enqueue_indirect_dma source(%dma_start3A_33 : memref<10000x128xf32, #tpu.memory_space<hbm>>) target(%arg11 : memref<40x128xf32, #tpu.memory_space<vmem>>) offsets(%dma_start3A_30 : memref<40xi32, #tpu.memory_space<vmem>>) semaphore(%arg18 : memref<!tpu.dma_semaphore, #tpu.memory_space<semaphore_mem>>)
    %scan3A = arith.constant 0 : i32
    %scan3A_34 = arith.constant 83 : i32
    %scan3A_35 = arith.addi %scan3A, %scan3A_34 : i32
    %scan3A_36 = arith.constant 1 : i32
    scf.for %scan3A_59 = %scan3A to %scan3A_35 step %scan3A_36  : i32 {
      %mul3A_60 = arith.constant 1 : i32
      %mul3A_61 = arith.muli %scan3A_59, %mul3A_60 : i32
      %add3A_62 = arith.constant 0 : i32
      %add3A_63 = arith.addi %add3A_62, %mul3A_61 : i32
      %mul3A_64 = arith.constant 3 : i32
      %mul3A_65 = arith.muli %mul3A_64, %add3A_63 : i32
      %add3A_66 = arith.constant 2 : i32
      %add3A_67 = arith.addi %mul3A_65, %add3A_66 : i32
      %lt3A_68 = arith.constant 250 : i32
      %lt3A_69 = arith.cmpi slt, %add3A_67, %lt3A_68 : i32
      %convert_element_type3A_70 = arith.extui %lt3A_69 : i1 to i32
      %cond3A_71 = arith.constant 0 : i32
      %cond3A_72 = arith.cmpi ne, %convert_element_type3A_70, %cond3A_71 : i32
      scf.if %cond3A_72 {
        %add3A_145 = arith.constant 2 : i32
        %add3A_146 = arith.addi %mul3A_65, %add3A_145 : i32
        %dma_start3A_147 = arith.constant 0 : i32
        %dma_start3A_148 = tpu.memref_slice %arg6[%add3A_146, %dma_start3A_147] : memref<250x40xi32, #tpu.memory_space<vmem>> -> memref<1x40xi32, #tpu.memory_space<vmem>>
        %dma_start3A_149 = tpu.memref_squeeze %dma_start3A_148 : memref<1x40xi32, #tpu.memory_space<vmem>> -> memref<40xi32, #tpu.memory_space<vmem>>
        %dma_start3A_150 = arith.constant 0 : i32
        %dma_start3A_151 = arith.constant 0 : i32
        %dma_start3A_152 = tpu.memref_slice %arg2[%dma_start3A_150, %dma_start3A_151] : memref<10000x128xf32, #tpu.memory_space<hbm>> -> memref<10000x128xf32, #tpu.memory_space<hbm>>
        tpu.enqueue_indirect_dma source(%dma_start3A_152 : memref<10000x128xf32, #tpu.memory_space<hbm>>) target(%arg12 : memref<40x128xf32, #tpu.memory_space<vmem>>) offsets(%dma_start3A_149 : memref<40xi32, #tpu.memory_space<vmem>>) semaphore(%arg19 : memref<!tpu.dma_semaphore, #tpu.memory_space<semaphore_mem>>)
      } else {
      }
      %dma_wait3A_73 = arith.constant 0 : i32
      %dma_wait3A_74 = tpu.memref_slice %arg6[%mul3A_65, %dma_wait3A_73] : memref<250x40xi32, #tpu.memory_space<vmem>> -> memref<1x40xi32, #tpu.memory_space<vmem>>
      %dma_wait3A_75 = tpu.memref_squeeze %dma_wait3A_74 : memref<1x40xi32, #tpu.memory_space<vmem>> -> memref<40xi32, #tpu.memory_space<vmem>>
      %dma_wait3A_76 = arith.constant 0 : i32
      %dma_wait3A_77 = arith.constant 0 : i32
      %dma_wait3A_78 = tpu.memref_slice %arg2[%dma_wait3A_76, %dma_wait3A_77] : memref<10000x128xf32, #tpu.memory_space<hbm>> -> memref<10000x128xf32, #tpu.memory_space<hbm>>
      tpu.wait_indirect_dma semaphore(%arg17 : memref<!tpu.dma_semaphore, #tpu.memory_space<semaphore_mem>>) src(%dma_wait3A_78 : memref<10000x128xf32, #tpu.memory_space<hbm>>) dst(%arg10 : memref<40x128xf32, #tpu.memory_space<vmem>>)
      %mul3A_79 = arith.constant 40 : i32
      %mul3A_80 = arith.muli %mul3A_65, %mul3A_79 : i32
      %add3A_81 = arith.addi %mul3A_8, %mul3A_80 : i32
      %dma_wait3A_82 = tpu.memref_slice %arg4[%add3A_81] : memref<320000xi32, #tpu.memory_space<hbm>> -> memref<40xi32, #tpu.memory_space<hbm>>
      %dma_wait3A_83 = tpu.memref_slice %arg4[%add3A_81] : memref<320000xi32, #tpu.memory_space<hbm>> -> memref<40xi32, #tpu.memory_space<hbm>>
      tpu.wait_dma2 semaphore(%arg14 : memref<!tpu.dma_semaphore, #tpu.memory_space<semaphore_mem>>) src(%dma_wait3A_83 : memref<40xi32, #tpu.memory_space<hbm>>) dst(%arg7 : memref<40xi32, #tpu.memory_space<vmem>>)
      "tpu.region"() ({
        %run_scoped3A = tpu.sem_alloc : memref<!tpu.dma_semaphore, #tpu.memory_space<semaphore_mem>>
        %dma_start3A_145 = arith.constant 0 : i32
        %dma_start3A_146 = arith.constant 0 : i32
        %dma_start3A_147 = tpu.memref_slice %arg13[%dma_start3A_145, %dma_start3A_146] : memref<10000x128xf32, #tpu.memory_space<vmem_shared>> -> memref<10000x128xf32, #tpu.memory_space<vmem_shared>>
        tpu.enqueue_indirect_dma source(%arg10 : memref<40x128xf32, #tpu.memory_space<vmem>>) target(%dma_start3A_147 : memref<10000x128xf32, #tpu.memory_space<vmem_shared>>) offsets(%arg7 : memref<40xi32, #tpu.memory_space<vmem>>) semaphore(%run_scoped3A : memref<!tpu.dma_semaphore, #tpu.memory_space<semaphore_mem>>) {add = true}
        %dma_wait3A_148 = arith.constant 0 : i32
        %dma_wait3A_149 = arith.constant 0 : i32
        %dma_wait3A_150 = tpu.memref_slice %arg13[%dma_wait3A_148, %dma_wait3A_149] : memref<10000x128xf32, #tpu.memory_space<vmem_shared>> -> memref<10000x128xf32, #tpu.memory_space<vmem_shared>>
        tpu.wait_indirect_dma semaphore(%run_scoped3A : memref<!tpu.dma_semaphore, #tpu.memory_space<semaphore_mem>>) src(%arg10 : memref<40x128xf32, #tpu.memory_space<vmem>>) dst(%dma_wait3A_150 : memref<10000x128xf32, #tpu.memory_space<vmem_shared>>)
        tpu.yield
      }) : () -> ()
      %add3A_84 = arith.constant 3 : i32
      %add3A_85 = arith.addi %mul3A_65, %add3A_84 : i32
      %lt3A_86 = arith.constant 250 : i32
      %lt3A_87 = arith.cmpi slt, %add3A_85, %lt3A_86 : i32
      %convert_element_type3A_88 = arith.extui %lt3A_87 : i1 to i32
      %cond3A_89 = arith.constant 0 : i32
      %cond3A_90 = arith.cmpi ne, %convert_element_type3A_88, %cond3A_89 : i32
      scf.if %cond3A_90 {
        %add3A_145 = arith.constant 3 : i32
        %add3A_146 = arith.addi %mul3A_65, %add3A_145 : i32
        %mul3A_147 = arith.constant 40 : i32
        %mul3A_148 = arith.muli %add3A_146, %mul3A_147 : i32
        %add3A_149 = arith.addi %mul3A_8, %mul3A_148 : i32
        %dma_start3A_150 = tpu.memref_slice %arg4[%add3A_149] : memref<320000xi32, #tpu.memory_space<hbm>> -> memref<40xi32, #tpu.memory_space<hbm>>
        %dma_start3A_151 = tpu.memref_slice %arg4[%add3A_149] : memref<320000xi32, #tpu.memory_space<hbm>> -> memref<40xi32, #tpu.memory_space<hbm>>
        tpu.enqueue_dma source(%dma_start3A_151 : memref<40xi32, #tpu.memory_space<hbm>>) target(%arg7 : memref<40xi32, #tpu.memory_space<vmem>>) target_semaphore(%arg14 : memref<!tpu.dma_semaphore, #tpu.memory_space<semaphore_mem>>)
      } else {
      }
      %add3A_91 = arith.constant 1 : i32
      %add3A_92 = arith.addi %mul3A_65, %add3A_91 : i32
      %add3A_93 = arith.constant 2 : i32
      %add3A_94 = arith.addi %add3A_92, %add3A_93 : i32
      %lt3A_95 = arith.constant 250 : i32
      %lt3A_96 = arith.cmpi slt, %add3A_94, %lt3A_95 : i32
      %convert_element_type3A_97 = arith.extui %lt3A_96 : i1 to i32
      %cond3A_98 = arith.constant 0 : i32
      %cond3A_99 = arith.cmpi ne, %convert_element_type3A_97, %cond3A_98 : i32
      scf.if %cond3A_99 {
        %add3A_145 = arith.constant 2 : i32
        %add3A_146 = arith.addi %add3A_92, %add3A_145 : i32
        %dma_start3A_147 = arith.constant 0 : i32
        %dma_start3A_148 = tpu.memref_slice %arg6[%add3A_146, %dma_start3A_147] : memref<250x40xi32, #tpu.memory_space<vmem>> -> memref<1x40xi32, #tpu.memory_space<vmem>>
        %dma_start3A_149 = tpu.memref_squeeze %dma_start3A_148 : memref<1x40xi32, #tpu.memory_space<vmem>> -> memref<40xi32, #tpu.memory_space<vmem>>
        %dma_start3A_150 = arith.constant 0 : i32
        %dma_start3A_151 = arith.constant 0 : i32
        %dma_start3A_152 = tpu.memref_slice %arg2[%dma_start3A_150, %dma_start3A_151] : memref<10000x128xf32, #tpu.memory_space<hbm>> -> memref<10000x128xf32, #tpu.memory_space<hbm>>
        tpu.enqueue_indirect_dma source(%dma_start3A_152 : memref<10000x128xf32, #tpu.memory_space<hbm>>) target(%arg10 : memref<40x128xf32, #tpu.memory_space<vmem>>) offsets(%dma_start3A_149 : memref<40xi32, #tpu.memory_space<vmem>>) semaphore(%arg17 : memref<!tpu.dma_semaphore, #tpu.memory_space<semaphore_mem>>)
      } else {
      }
      %dma_wait3A_100 = arith.constant 0 : i32
      %dma_wait3A_101 = tpu.memref_slice %arg6[%add3A_92, %dma_wait3A_100] : memref<250x40xi32, #tpu.memory_space<vmem>> -> memref<1x40xi32, #tpu.memory_space<vmem>>
      %dma_wait3A_102 = tpu.memref_squeeze %dma_wait3A_101 : memref<1x40xi32, #tpu.memory_space<vmem>> -> memref<40xi32, #tpu.memory_space<vmem>>
      %dma_wait3A_103 = arith.constant 0 : i32
      %dma_wait3A_104 = arith.constant 0 : i32
      %dma_wait3A_105 = tpu.memref_slice %arg2[%dma_wait3A_103, %dma_wait3A_104] : memref<10000x128xf32, #tpu.memory_space<hbm>> -> memref<10000x128xf32, #tpu.memory_space<hbm>>
      tpu.wait_indirect_dma semaphore(%arg18 : memref<!tpu.dma_semaphore, #tpu.memory_space<semaphore_mem>>) src(%dma_wait3A_105 : memref<10000x128xf32, #tpu.memory_space<hbm>>) dst(%arg11 : memref<40x128xf32, #tpu.memory_space<vmem>>)
      %mul3A_106 = arith.constant 40 : i32
      %mul3A_107 = arith.muli %add3A_92, %mul3A_106 : i32
      %add3A_108 = arith.addi %mul3A_8, %mul3A_107 : i32
      %dma_wait3A_109 = tpu.memref_slice %arg4[%add3A_108] : memref<320000xi32, #tpu.memory_space<hbm>> -> memref<40xi32, #tpu.memory_space<hbm>>
      %dma_wait3A_110 = tpu.memref_slice %arg4[%add3A_108] : memref<320000xi32, #tpu.memory_space<hbm>> -> memref<40xi32, #tpu.memory_space<hbm>>
      tpu.wait_dma2 semaphore(%arg15 : memref<!tpu.dma_semaphore, #tpu.memory_space<semaphore_mem>>) src(%dma_wait3A_110 : memref<40xi32, #tpu.memory_space<hbm>>) dst(%arg8 : memref<40xi32, #tpu.memory_space<vmem>>)
      "tpu.region"() ({
        %run_scoped3A = tpu.sem_alloc : memref<!tpu.dma_semaphore, #tpu.memory_space<semaphore_mem>>
        %dma_start3A_145 = arith.constant 0 : i32
        %dma_start3A_146 = arith.constant 0 : i32
        %dma_start3A_147 = tpu.memref_slice %arg13[%dma_start3A_145, %dma_start3A_146] : memref<10000x128xf32, #tpu.memory_space<vmem_shared>> -> memref<10000x128xf32, #tpu.memory_space<vmem_shared>>
        tpu.enqueue_indirect_dma source(%arg11 : memref<40x128xf32, #tpu.memory_space<vmem>>) target(%dma_start3A_147 : memref<10000x128xf32, #tpu.memory_space<vmem_shared>>) offsets(%arg8 : memref<40xi32, #tpu.memory_space<vmem>>) semaphore(%run_scoped3A : memref<!tpu.dma_semaphore, #tpu.memory_space<semaphore_mem>>) {add = true}
        %dma_wait3A_148 = arith.constant 0 : i32
        %dma_wait3A_149 = arith.constant 0 : i32
        %dma_wait3A_150 = tpu.memref_slice %arg13[%dma_wait3A_148, %dma_wait3A_149] : memref<10000x128xf32, #tpu.memory_space<vmem_shared>> -> memref<10000x128xf32, #tpu.memory_space<vmem_shared>>
        tpu.wait_indirect_dma semaphore(%run_scoped3A : memref<!tpu.dma_semaphore, #tpu.memory_space<semaphore_mem>>) src(%arg11 : memref<40x128xf32, #tpu.memory_space<vmem>>) dst(%dma_wait3A_150 : memref<10000x128xf32, #tpu.memory_space<vmem_shared>>)
        tpu.yield
      }) : () -> ()
      %add3A_111 = arith.constant 3 : i32
      %add3A_112 = arith.addi %add3A_92, %add3A_111 : i32
      %lt3A_113 = arith.constant 250 : i32
      %lt3A_114 = arith.cmpi slt, %add3A_112, %lt3A_113 : i32
      %convert_element_type3A_115 = arith.extui %lt3A_114 : i1 to i32
      %cond3A_116 = arith.constant 0 : i32
      %cond3A_117 = arith.cmpi ne, %convert_element_type3A_115, %cond3A_116 : i32
      scf.if %cond3A_117 {
        %add3A_145 = arith.constant 3 : i32
        %add3A_146 = arith.addi %add3A_92, %add3A_145 : i32
        %mul3A_147 = arith.constant 40 : i32
        %mul3A_148 = arith.muli %add3A_146, %mul3A_147 : i32
        %add3A_149 = arith.addi %mul3A_8, %mul3A_148 : i32
        %dma_start3A_150 = tpu.memref_slice %arg4[%add3A_149] : memref<320000xi32, #tpu.memory_space<hbm>> -> memref<40xi32, #tpu.memory_space<hbm>>
        %dma_start3A_151 = tpu.memref_slice %arg4[%add3A_149] : memref<320000xi32, #tpu.memory_space<hbm>> -> memref<40xi32, #tpu.memory_space<hbm>>
        tpu.enqueue_dma source(%dma_start3A_151 : memref<40xi32, #tpu.memory_space<hbm>>) target(%arg8 : memref<40xi32, #tpu.memory_space<vmem>>) target_semaphore(%arg15 : memref<!tpu.dma_semaphore, #tpu.memory_space<semaphore_mem>>)
      } else {
      }
      %add3A_118 = arith.constant 2 : i32
      %add3A_119 = arith.addi %mul3A_65, %add3A_118 : i32
      %add3A_120 = arith.constant 2 : i32
      %add3A_121 = arith.addi %add3A_119, %add3A_120 : i32
      %lt3A_122 = arith.constant 250 : i32
      %lt3A_123 = arith.cmpi slt, %add3A_121, %lt3A_122 : i32
      %convert_element_type3A_124 = arith.extui %lt3A_123 : i1 to i32
      %cond3A_125 = arith.constant 0 : i32
      %cond3A_126 = arith.cmpi ne, %convert_element_type3A_124, %cond3A_125 : i32
      scf.if %cond3A_126 {
        %add3A_145 = arith.constant 2 : i32
        %add3A_146 = arith.addi %add3A_119, %add3A_145 : i32
        %dma_start3A_147 = arith.constant 0 : i32
        %dma_start3A_148 = tpu.memref_slice %arg6[%add3A_146, %dma_start3A_147] : memref<250x40xi32, #tpu.memory_space<vmem>> -> memref<1x40xi32, #tpu.memory_space<vmem>>
        %dma_start3A_149 = tpu.memref_squeeze %dma_start3A_148 : memref<1x40xi32, #tpu.memory_space<vmem>> -> memref<40xi32, #tpu.memory_space<vmem>>
        %dma_start3A_150 = arith.constant 0 : i32
        %dma_start3A_151 = arith.constant 0 : i32
        %dma_start3A_152 = tpu.memref_slice %arg2[%dma_start3A_150, %dma_start3A_151] : memref<10000x128xf32, #tpu.memory_space<hbm>> -> memref<10000x128xf32, #tpu.memory_space<hbm>>
        tpu.enqueue_indirect_dma source(%dma_start3A_152 : memref<10000x128xf32, #tpu.memory_space<hbm>>) target(%arg11 : memref<40x128xf32, #tpu.memory_space<vmem>>) offsets(%dma_start3A_149 : memref<40xi32, #tpu.memory_space<vmem>>) semaphore(%arg18 : memref<!tpu.dma_semaphore, #tpu.memory_space<semaphore_mem>>)
      } else {
      }
      %dma_wait3A_127 = arith.constant 0 : i32
      %dma_wait3A_128 = tpu.memref_slice %arg6[%add3A_119, %dma_wait3A_127] : memref<250x40xi32, #tpu.memory_space<vmem>> -> memref<1x40xi32, #tpu.memory_space<vmem>>
      %dma_wait3A_129 = tpu.memref_squeeze %dma_wait3A_128 : memref<1x40xi32, #tpu.memory_space<vmem>> -> memref<40xi32, #tpu.memory_space<vmem>>
      %dma_wait3A_130 = arith.constant 0 : i32
      %dma_wait3A_131 = arith.constant 0 : i32
      %dma_wait3A_132 = tpu.memref_slice %arg2[%dma_wait3A_130, %dma_wait3A_131] : memref<10000x128xf32, #tpu.memory_space<hbm>> -> memref<10000x128xf32, #tpu.memory_space<hbm>>
      tpu.wait_indirect_dma semaphore(%arg19 : memref<!tpu.dma_semaphore, #tpu.memory_space<semaphore_mem>>) src(%dma_wait3A_132 : memref<10000x128xf32, #tpu.memory_space<hbm>>) dst(%arg12 : memref<40x128xf32, #tpu.memory_space<vmem>>)
      %mul3A_133 = arith.constant 40 : i32
      %mul3A_134 = arith.muli %add3A_119, %mul3A_133 : i32
      %add3A_135 = arith.addi %mul3A_8, %mul3A_134 : i32
      %dma_wait3A_136 = tpu.memref_slice %arg4[%add3A_135] : memref<320000xi32, #tpu.memory_space<hbm>> -> memref<40xi32, #tpu.memory_space<hbm>>
      %dma_wait3A_137 = tpu.memref_slice %arg4[%add3A_135] : memref<320000xi32, #tpu.memory_space<hbm>> -> memref<40xi32, #tpu.memory_space<hbm>>
      tpu.wait_dma2 semaphore(%arg16 : memref<!tpu.dma_semaphore, #tpu.memory_space<semaphore_mem>>) src(%dma_wait3A_137 : memref<40xi32, #tpu.memory_space<hbm>>) dst(%arg9 : memref<40xi32, #tpu.memory_space<vmem>>)
      "tpu.region"() ({
        %run_scoped3A = tpu.sem_alloc : memref<!tpu.dma_semaphore, #tpu.memory_space<semaphore_mem>>
        %dma_start3A_145 = arith.constant 0 : i32
        %dma_start3A_146 = arith.constant 0 : i32
        %dma_start3A_147 = tpu.memref_slice %arg13[%dma_start3A_145, %dma_start3A_146] : memref<10000x128xf32, #tpu.memory_space<vmem_shared>> -> memref<10000x128xf32, #tpu.memory_space<vmem_shared>>
        tpu.enqueue_indirect_dma source(%arg12 : memref<40x128xf32, #tpu.memory_space<vmem>>) target(%dma_start3A_147 : memref<10000x128xf32, #tpu.memory_space<vmem_shared>>) offsets(%arg9 : memref<40xi32, #tpu.memory_space<vmem>>) semaphore(%run_scoped3A : memref<!tpu.dma_semaphore, #tpu.memory_space<semaphore_mem>>) {add = true}
        %dma_wait3A_148 = arith.constant 0 : i32
        %dma_wait3A_149 = arith.constant 0 : i32
        %dma_wait3A_150 = tpu.memref_slice %arg13[%dma_wait3A_148, %dma_wait3A_149] : memref<10000x128xf32, #tpu.memory_space<vmem_shared>> -> memref<10000x128xf32, #tpu.memory_space<vmem_shared>>
        tpu.wait_indirect_dma semaphore(%run_scoped3A : memref<!tpu.dma_semaphore, #tpu.memory_space<semaphore_mem>>) src(%arg12 : memref<40x128xf32, #tpu.memory_space<vmem>>) dst(%dma_wait3A_150 : memref<10000x128xf32, #tpu.memory_space<vmem_shared>>)
        tpu.yield
      }) : () -> ()
      %add3A_138 = arith.constant 3 : i32
      %add3A_139 = arith.addi %add3A_119, %add3A_138 : i32
      %lt3A_140 = arith.constant 250 : i32
      %lt3A_141 = arith.cmpi slt, %add3A_139, %lt3A_140 : i32
      %convert_element_type3A_142 = arith.extui %lt3A_141 : i1 to i32
      %cond3A_143 = arith.constant 0 : i32
      %cond3A_144 = arith.cmpi ne, %convert_element_type3A_142, %cond3A_143 : i32
      scf.if %cond3A_144 {
        %add3A_145 = arith.constant 3 : i32
        %add3A_146 = arith.addi %add3A_119, %add3A_145 : i32
        %mul3A_147 = arith.constant 40 : i32
        %mul3A_148 = arith.muli %add3A_146, %mul3A_147 : i32
        %add3A_149 = arith.addi %mul3A_8, %mul3A_148 : i32
        %dma_start3A_150 = tpu.memref_slice %arg4[%add3A_149] : memref<320000xi32, #tpu.memory_space<hbm>> -> memref<40xi32, #tpu.memory_space<hbm>>
        %dma_start3A_151 = tpu.memref_slice %arg4[%add3A_149] : memref<320000xi32, #tpu.memory_space<hbm>> -> memref<40xi32, #tpu.memory_space<hbm>>
        tpu.enqueue_dma source(%dma_start3A_151 : memref<40xi32, #tpu.memory_space<hbm>>) target(%arg9 : memref<40xi32, #tpu.memory_space<vmem>>) target_semaphore(%arg16 : memref<!tpu.dma_semaphore, #tpu.memory_space<semaphore_mem>>)
      } else {
      }
    }
    %scan3A_37 = arith.constant 83 : i32
    %dma_wait3A = arith.constant 249 : i32
    %dma_wait3A_38 = arith.constant 0 : i32
    %dma_wait3A_39 = tpu.memref_slice %arg6[%dma_wait3A, %dma_wait3A_38] : memref<250x40xi32, #tpu.memory_space<vmem>> -> memref<1x40xi32, #tpu.memory_space<vmem>>
    %dma_wait3A_40 = tpu.memref_squeeze %dma_wait3A_39 : memref<1x40xi32, #tpu.memory_space<vmem>> -> memref<40xi32, #tpu.memory_space<vmem>>
    %dma_wait3A_41 = arith.constant 0 : i32
    %dma_wait3A_42 = arith.constant 0 : i32
    %dma_wait3A_43 = tpu.memref_slice %arg2[%dma_wait3A_41, %dma_wait3A_42] : memref<10000x128xf32, #tpu.memory_space<hbm>> -> memref<10000x128xf32, #tpu.memory_space<hbm>>
    tpu.wait_indirect_dma semaphore(%arg17 : memref<!tpu.dma_semaphore, #tpu.memory_space<semaphore_mem>>) src(%dma_wait3A_43 : memref<10000x128xf32, #tpu.memory_space<hbm>>) dst(%arg10 : memref<40x128xf32, #tpu.memory_space<vmem>>)
    %add3A_44 = arith.constant 9960 : i32
    %add3A_45 = arith.addi %mul3A_8, %add3A_44 : i32
    %dma_wait3A_46 = tpu.memref_slice %arg4[%add3A_45] : memref<320000xi32, #tpu.memory_space<hbm>> -> memref<40xi32, #tpu.memory_space<hbm>>
    %dma_wait3A_47 = tpu.memref_slice %arg4[%add3A_45] : memref<320000xi32, #tpu.memory_space<hbm>> -> memref<40xi32, #tpu.memory_space<hbm>>
    tpu.wait_dma2 semaphore(%arg14 : memref<!tpu.dma_semaphore, #tpu.memory_space<semaphore_mem>>) src(%dma_wait3A_47 : memref<40xi32, #tpu.memory_space<hbm>>) dst(%arg7 : memref<40xi32, #tpu.memory_space<vmem>>)
    "tpu.region"() ({
      %run_scoped3A = tpu.sem_alloc : memref<!tpu.dma_semaphore, #tpu.memory_space<semaphore_mem>>
      %dma_start3A_59 = arith.constant 0 : i32
      %dma_start3A_60 = arith.constant 0 : i32
      %dma_start3A_61 = tpu.memref_slice %arg13[%dma_start3A_59, %dma_start3A_60] : memref<10000x128xf32, #tpu.memory_space<vmem_shared>> -> memref<10000x128xf32, #tpu.memory_space<vmem_shared>>
      tpu.enqueue_indirect_dma source(%arg10 : memref<40x128xf32, #tpu.memory_space<vmem>>) target(%dma_start3A_61 : memref<10000x128xf32, #tpu.memory_space<vmem_shared>>) offsets(%arg7 : memref<40xi32, #tpu.memory_space<vmem>>) semaphore(%run_scoped3A : memref<!tpu.dma_semaphore, #tpu.memory_space<semaphore_mem>>) {add = true}
      %dma_wait3A_62 = arith.constant 0 : i32
      %dma_wait3A_63 = arith.constant 0 : i32
      %dma_wait3A_64 = tpu.memref_slice %arg13[%dma_wait3A_62, %dma_wait3A_63] : memref<10000x128xf32, #tpu.memory_space<vmem_shared>> -> memref<10000x128xf32, #tpu.memory_space<vmem_shared>>
      tpu.wait_indirect_dma semaphore(%run_scoped3A : memref<!tpu.dma_semaphore, #tpu.memory_space<semaphore_mem>>) src(%arg10 : memref<40x128xf32, #tpu.memory_space<vmem>>) dst(%dma_wait3A_64 : memref<10000x128xf32, #tpu.memory_space<vmem_shared>>)
      tpu.yield
    }) : () -> ()
    %barrier3A_48 = arith.constant 0 : index
    tpu.barrier barrier_id(%barrier3A_48)
    %lt3A_49 = arith.constant 15 : i32
    %lt3A_50 = arith.cmpi slt, %arg1, %lt3A_49 : i32
    %convert_element_type3A_51 = arith.extui %lt3A_50 : i1 to i32
    %cond3A_52 = arith.constant 0 : i32
    %cond3A_53 = arith.cmpi ne, %convert_element_type3A_51, %cond3A_52 : i32
    scf.if %cond3A_53 {
      %mul3A_59 = arith.constant 624 : i32
      %mul3A_60 = arith.muli %arg1, %mul3A_59 : i32
      "tpu.region"() ({
        %run_scoped3A = tpu.sem_alloc : memref<!tpu.dma_semaphore, #tpu.memory_space<semaphore_mem>>
        %dma_start3A_61 = arith.constant 0 : i32
        %dma_start3A_62 = tpu.memref_slice %arg5[%arg0, %mul3A_60, %dma_start3A_61] : memref<2x10000x128xf32, #tpu.memory_space<hbm>> -> memref<1x624x128xf32, #tpu.memory_space<hbm>>
        %dma_start3A_63 = tpu.memref_squeeze %dma_start3A_62 : memref<1x624x128xf32, #tpu.memory_space<hbm>> -> memref<624x128xf32, #tpu.memory_space<hbm>>
        %dma_start3A_64 = arith.constant 0 : i32
        %dma_start3A_65 = tpu.memref_slice %arg13[%mul3A_60, %dma_start3A_64] : memref<10000x128xf32, #tpu.memory_space<vmem_shared>> -> memref<624x128xf32, #tpu.memory_space<vmem_shared>>
        tpu.enqueue_dma source(%dma_start3A_65 : memref<624x128xf32, #tpu.memory_space<vmem_shared>>) target(%dma_start3A_63 : memref<624x128xf32, #tpu.memory_space<hbm>>) target_semaphore(%run_scoped3A : memref<!tpu.dma_semaphore, #tpu.memory_space<semaphore_mem>>)
        %dma_wait3A_66 = arith.constant 0 : i32
        %dma_wait3A_67 = tpu.memref_slice %arg5[%arg0, %mul3A_60, %dma_wait3A_66] : memref<2x10000x128xf32, #tpu.memory_space<hbm>> -> memref<1x624x128xf32, #tpu.memory_space<hbm>>
        %dma_wait3A_68 = tpu.memref_squeeze %dma_wait3A_67 : memref<1x624x128xf32, #tpu.memory_space<hbm>> -> memref<624x128xf32, #tpu.memory_space<hbm>>
        %dma_wait3A_69 = arith.constant 0 : i32
        %dma_wait3A_70 = tpu.memref_slice %arg13[%mul3A_60, %dma_wait3A_69] : memref<10000x128xf32, #tpu.memory_space<vmem_shared>> -> memref<624x128xf32, #tpu.memory_space<vmem_shared>>
        tpu.wait_dma2 semaphore(%run_scoped3A : memref<!tpu.dma_semaphore, #tpu.memory_space<semaphore_mem>>) src(%dma_wait3A_70 : memref<624x128xf32, #tpu.memory_space<vmem_shared>>) dst(%dma_wait3A_68 : memref<624x128xf32, #tpu.memory_space<hbm>>)
        tpu.yield
      }) : () -> ()
    } else {
    }
    %eq3A_54 = arith.constant 15 : i32
    %eq3A_55 = arith.cmpi eq, %arg1, %eq3A_54 : i32
    %convert_element_type3A_56 = arith.extui %eq3A_55 : i1 to i32
    %cond3A_57 = arith.constant 0 : i32
    %cond3A_58 = arith.cmpi ne, %convert_element_type3A_56, %cond3A_57 : i32
    scf.if %cond3A_58 {
      "tpu.region"() ({
        %run_scoped3A = tpu.sem_alloc : memref<!tpu.dma_semaphore, #tpu.memory_space<semaphore_mem>>
        %dma_start3A_59 = arith.constant 9360 : i32
        %dma_start3A_60 = arith.constant 0 : i32
        %dma_start3A_61 = tpu.memref_slice %arg5[%arg0, %dma_start3A_59, %dma_start3A_60] : memref<2x10000x128xf32, #tpu.memory_space<hbm>> -> memref<1x640x128xf32, #tpu.memory_space<hbm>>
        %dma_start3A_62 = tpu.memref_squeeze %dma_start3A_61 : memref<1x640x128xf32, #tpu.memory_space<hbm>> -> memref<640x128xf32, #tpu.memory_space<hbm>>
        %dma_start3A_63 = arith.constant 9360 : i32
        %dma_start3A_64 = arith.constant 0 : i32
        %dma_start3A_65 = tpu.memref_slice %arg13[%dma_start3A_63, %dma_start3A_64] : memref<10000x128xf32, #tpu.memory_space<vmem_shared>> -> memref<640x128xf32, #tpu.memory_space<vmem_shared>>
        tpu.enqueue_dma source(%dma_start3A_65 : memref<640x128xf32, #tpu.memory_space<vmem_shared>>) target(%dma_start3A_62 : memref<640x128xf32, #tpu.memory_space<hbm>>) target_semaphore(%run_scoped3A : memref<!tpu.dma_semaphore, #tpu.memory_space<semaphore_mem>>)
        %dma_wait3A_66 = arith.constant 9360 : i32
        %dma_wait3A_67 = arith.constant 0 : i32
        %dma_wait3A_68 = tpu.memref_slice %arg5[%arg0, %dma_wait3A_66, %dma_wait3A_67] : memref<2x10000x128xf32, #tpu.memory_space<hbm>> -> memref<1x640x128xf32, #tpu.memory_space<hbm>>
        %dma_wait3A_69 = tpu.memref_squeeze %dma_wait3A_68 : memref<1x640x128xf32, #tpu.memory_space<hbm>> -> memref<640x128xf32, #tpu.memory_space<hbm>>
        %dma_wait3A_70 = arith.constant 9360 : i32
        %dma_wait3A_71 = arith.constant 0 : i32
        %dma_wait3A_72 = tpu.memref_slice %arg13[%dma_wait3A_70, %dma_wait3A_71] : memref<10000x128xf32, #tpu.memory_space<vmem_shared>> -> memref<640x128xf32, #tpu.memory_space<vmem_shared>>
        tpu.wait_dma2 semaphore(%run_scoped3A : memref<!tpu.dma_semaphore, #tpu.memory_space<semaphore_mem>>) src(%dma_wait3A_72 : memref<640x128xf32, #tpu.memory_space<vmem_shared>>) dst(%dma_wait3A_69 : memref<640x128xf32, #tpu.memory_space<hbm>>)
        tpu.yield
      }) : () -> ()
    } else {
    }
    return
  }
}

module attributes {stable_mosaic.version = 14 : i64} {
  func.func @_k3_body(%arg0: i32, %arg1: memref<2x1000x128xf32, #tpu.memory_space<vmem>>, %arg2: memref<1000x128xf32, #tpu.memory_space<vmem>>, %arg3: memref<2x1000x128xf32, #tpu.memory_space<vmem>>, %arg4: memref<128x128xf32, #tpu.memory_space<vmem>>, %arg5: memref<1x128xf32, #tpu.memory_space<vmem>>, %arg6: memref<1000x128xf32, #tpu.memory_space<vmem>>) attributes {dimension_semantics = [#tpu.dimension_semantics<arbitrary>], iteration_bounds = array<i64: 10>, scalar_prefetch = 0 : i64, scratch_operands = 0 : i64, tpu.core_type = #tpu.core_type<tc>, window_params = [{transform_indices = @transform_0, window_bounds = array<i64: 2, 1000, 128>}, {transform_indices = @transform_1, window_bounds = array<i64: 1000, 128>}, {transform_indices = @transform_2, window_bounds = array<i64: 2, 1000, 128>}, {pipeline_mode = #tpu.pipeline_mode<synchronous>, transform_indices = @transform_3, window_bounds = array<i64: 128, 128>}, {pipeline_mode = #tpu.pipeline_mode<synchronous>, transform_indices = @transform_4, window_bounds = array<i64: 1, 128>}, {transform_indices = @transform_5, window_bounds = array<i64: 1000, 128>}]} {
    %get3A = arith.constant 0 : index
    %get3A_0 = arith.constant 0 : index
    %get3A_1 = arith.constant 0 : index
    %get3A_2 = vector.load %arg3[%get3A, %get3A_0, %get3A_1] : memref<2x1000x128xf32, #tpu.memory_space<vmem>>, vector<1x1000x1xf32>
    %get3A_3 = vector.shape_cast %get3A_2 : vector<1x1000x1xf32> to vector<1000x1xf32>
    %get3A_4 = arith.constant 1 : index
    %get3A_5 = arith.constant 0 : index
    %get3A_6 = arith.constant 0 : index
    %get3A_7 = vector.load %arg3[%get3A_4, %get3A_5, %get3A_6] : memref<2x1000x128xf32, #tpu.memory_space<vmem>>, vector<1x1000x1xf32>
    %get3A_8 = vector.shape_cast %get3A_7 : vector<1x1000x1xf32> to vector<1000x1xf32>
    %add3A = arith.addf %get3A_3, %get3A_8 : vector<1000x1xf32>
    %add3A_9 = arith.constant 1.000000e+00 : f32
    %add3A_10 = vector.broadcast %add3A_9 : f32 to vector<1000x1xf32>
    %add3A_11 = arith.addf %add3A, %add3A_10 : vector<1000x1xf32>
    %max3A = arith.constant 1.000000e+00 : f32
    %max3A_12 = vector.broadcast %max3A : f32 to vector<1000x1xf32>
    %max3A_13 = arith.maximumf %add3A_11, %max3A_12 : vector<1000x1xf32>
    %sqrt3A = math.sqrt %max3A_13 : vector<1000x1xf32>
    %div3A = arith.constant 1.000000e+00 : f32
    %div3A_14 = vector.broadcast %div3A : f32 to vector<1000x1xf32>
    %div3A_15 = arith.divf %div3A_14, %sqrt3A : vector<1000x1xf32>
    %get3A_16 = arith.constant 0 : index
    %get3A_17 = arith.constant 0 : index
    %get3A_18 = arith.constant 0 : index
    %get3A_19 = vector.load %arg1[%get3A_16, %get3A_17, %get3A_18] : memref<2x1000x128xf32, #tpu.memory_space<vmem>>, vector<1x1000x128xf32>
    %get3A_20 = vector.shape_cast %get3A_19 : vector<1x1000x128xf32> to vector<1000x128xf32>
    %get3A_21 = arith.constant 1 : index
    %get3A_22 = arith.constant 0 : index
    %get3A_23 = arith.constant 0 : index
    %get3A_24 = vector.load %arg1[%get3A_21, %get3A_22, %get3A_23] : memref<2x1000x128xf32, #tpu.memory_space<vmem>>, vector<1x1000x128xf32>
    %get3A_25 = vector.shape_cast %get3A_24 : vector<1x1000x128xf32> to vector<1000x128xf32>
    %add3A_26 = arith.addf %get3A_20, %get3A_25 : vector<1000x128xf32>
    %get3A_27 = arith.constant 0 : index
    %get3A_28 = arith.constant 0 : index
    %get3A_29 = vector.load %arg2[%get3A_27, %get3A_28] : memref<1000x128xf32, #tpu.memory_space<vmem>>, vector<1000x128xf32>
    %sub3A = arith.subf %add3A_26, %get3A_29 : vector<1000x128xf32>
    %mul3A = vector.broadcast %div3A_15 : vector<1000x1xf32> to vector<1000x128xf32>
    %mul3A_30 = arith.mulf %sub3A, %mul3A : vector<1000x128xf32>
    %get3A_31 = arith.constant 0 : index
    %get3A_32 = arith.constant 0 : index
    %get3A_33 = vector.load %arg5[%get3A_31, %get3A_32] : memref<1x128xf32, #tpu.memory_space<vmem>>, vector<1x128xf32>
    %add3A_34 = vector.broadcast %get3A_33 : vector<1x128xf32> to vector<1000x128xf32>
    %add3A_35 = arith.addf %mul3A_30, %add3A_34 : vector<1000x128xf32>
    %max3A_36 = arith.constant 0.000000e+00 : f32
    %max3A_37 = vector.broadcast %max3A_36 : f32 to vector<1000x128xf32>
    %max3A_38 = arith.maximumf %add3A_35, %max3A_37 : vector<1000x128xf32>
    %get3A_39 = arith.constant 0 : index
    %get3A_40 = arith.constant 0 : index
    %get3A_41 = vector.load %arg4[%get3A_39, %get3A_40] : memref<128x128xf32, #tpu.memory_space<vmem>>, vector<128x128xf32>
    %dot_general3A = arith.constant dense<0.000000e+00> : vector<1000x128xf32>
    %dot_general3A_42 = tpu.matmul %max3A_38, %get3A_41, %dot_general3A {dimension_numbers = #tpu.dot_dimension_numbers<[1], [0], [0], [1], [0, 0, 1, 1], [], []>, precision = #tpu.contract_precision<fp32>, transpose_lhs_hint = false} : vector<1000x128xf32>, vector<128x128xf32>, vector<1000x128xf32> -> vector<1000x128xf32>
    %mul3A_43 = vector.broadcast %div3A_15 : vector<1000x1xf32> to vector<1000x128xf32>
    %mul3A_44 = arith.mulf %dot_general3A_42, %mul3A_43 : vector<1000x128xf32>
    %swap3A = arith.constant 0 : index
    %swap3A_45 = arith.constant 0 : index
    %swap3A_46 = vector.load %arg6[%swap3A, %swap3A_45] : memref<1000x128xf32, #tpu.memory_space<vmem>>, vector<1000x128xf32>
    tpu.vector_store %arg6[%swap3A, %swap3A_45], %mul3A_44 {strides = array<i32>} : memref<1000x128xf32, #tpu.memory_space<vmem>>, vector<1000x128xf32>,
    return
  }
  func.func @transform_0(%arg0: i32) -> (i32, i32, i32) {
    %c0_i32 = arith.constant 0 : i32
    %c0_i32_0 = arith.constant 0 : i32
    %c0_i32_1 = arith.constant 0 : i32
    return %c0_i32, %arg0, %c0_i32_0 : i32, i32, i32
  }
  func.func @transform_1(%arg0: i32) -> (i32, i32) {
    %c0_i32 = arith.constant 0 : i32
    %c0_i32_0 = arith.constant 0 : i32
    return %arg0, %c0_i32 : i32, i32
  }
  func.func @transform_2(%arg0: i32) -> (i32, i32, i32) {
    %c0_i32 = arith.constant 0 : i32
    %c0_i32_0 = arith.constant 0 : i32
    %c0_i32_1 = arith.constant 0 : i32
    return %c0_i32, %arg0, %c0_i32_0 : i32, i32, i32
  }
  func.func @transform_3(%arg0: i32) -> (i32, i32) {
    %c0_i32 = arith.constant 0 : i32
    %c0_i32_0 = arith.constant 0 : i32
    %c0_i32_1 = arith.constant 0 : i32
    return %c0_i32, %c0_i32_0 : i32, i32
  }
  func.func @transform_4(%arg0: i32) -> (i32, i32) {
    %c0_i32 = arith.constant 0 : i32
    %c0_i32_0 = arith.constant 0 : i32
    %c0_i32_1 = arith.constant 0 : i32
    return %c0_i32, %c0_i32_0 : i32, i32
  }
  func.func @transform_5(%arg0: i32) -> (i32, i32) {
    %c0_i32 = arith.constant 0 : i32
    %c0_i32_0 = arith.constant 0 : i32
    return %arg0, %c0_i32 : i32, i32
  }
}

module attributes {stable_mosaic.version = 14 : i64} {
  func.func @_k2_body(%arg0: i32, %arg1: memref<1000x128xf32, #tpu.memory_space<vmem>>, %arg2: memref<128x128xf32, #tpu.memory_space<vmem>>, %arg3: memref<2x1000x128xf32, #tpu.memory_space<vmem>>, %arg4: memref<1000x128xf32, #tpu.memory_space<vmem>>) attributes {dimension_semantics = [#tpu.dimension_semantics<arbitrary>], iteration_bounds = array<i64: 10>, scalar_prefetch = 0 : i64, scratch_operands = 0 : i64, tpu.core_type = #tpu.core_type<tc>, window_params = [{transform_indices = @transform_0, window_bounds = array<i64: 1000, 128>}, {pipeline_mode = #tpu.pipeline_mode<synchronous>, transform_indices = @transform_1, window_bounds = array<i64: 128, 128>}, {transform_indices = @transform_2, window_bounds = array<i64: 2, 1000, 128>}, {transform_indices = @transform_3, window_bounds = array<i64: 1000, 128>}]} {
    %get3A = arith.constant 0 : index
    %get3A_0 = arith.constant 0 : index
    %get3A_1 = arith.constant 0 : index
    %get3A_2 = vector.load %arg3[%get3A, %get3A_0, %get3A_1] : memref<2x1000x128xf32, #tpu.memory_space<vmem>>, vector<1x1000x1xf32>
    %get3A_3 = vector.shape_cast %get3A_2 : vector<1x1000x1xf32> to vector<1000x1xf32>
    %get3A_4 = arith.constant 1 : index
    %get3A_5 = arith.constant 0 : index
    %get3A_6 = arith.constant 0 : index
    %get3A_7 = vector.load %arg3[%get3A_4, %get3A_5, %get3A_6] : memref<2x1000x128xf32, #tpu.memory_space<vmem>>, vector<1x1000x1xf32>
    %get3A_8 = vector.shape_cast %get3A_7 : vector<1x1000x1xf32> to vector<1000x1xf32>
    %add3A = arith.addf %get3A_3, %get3A_8 : vector<1000x1xf32>
    %add3A_9 = arith.constant 1.000000e+00 : f32
    %add3A_10 = vector.broadcast %add3A_9 : f32 to vector<1000x1xf32>
    %add3A_11 = arith.addf %add3A, %add3A_10 : vector<1000x1xf32>
    %max3A = arith.constant 1.000000e+00 : f32
    %max3A_12 = vector.broadcast %max3A : f32 to vector<1000x1xf32>
    %max3A_13 = arith.maximumf %add3A_11, %max3A_12 : vector<1000x1xf32>
    %sqrt3A = math.sqrt %max3A_13 : vector<1000x1xf32>
    %div3A = arith.constant 1.000000e+00 : f32
    %div3A_14 = vector.broadcast %div3A : f32 to vector<1000x1xf32>
    %div3A_15 = arith.divf %div3A_14, %sqrt3A : vector<1000x1xf32>
    %get3A_16 = arith.constant 0 : index
    %get3A_17 = arith.constant 0 : index
    %get3A_18 = vector.load %arg1[%get3A_16, %get3A_17] : memref<1000x128xf32, #tpu.memory_space<vmem>>, vector<1000x128xf32>
    %get3A_19 = arith.constant 0 : index
    %get3A_20 = arith.constant 0 : index
    %get3A_21 = vector.load %arg2[%get3A_19, %get3A_20] : memref<128x128xf32, #tpu.memory_space<vmem>>, vector<128x128xf32>
    %dot_general3A = arith.constant dense<0.000000e+00> : vector<1000x128xf32>
    %dot_general3A_22 = tpu.matmul %get3A_18, %get3A_21, %dot_general3A {dimension_numbers = #tpu.dot_dimension_numbers<[1], [0], [0], [1], [0, 0, 1, 1], [], []>, precision = #tpu.contract_precision<fp32>, transpose_lhs_hint = false} : vector<1000x128xf32>, vector<128x128xf32>, vector<1000x128xf32> -> vector<1000x128xf32>
    %mul3A = vector.broadcast %div3A_15 : vector<1000x1xf32> to vector<1000x128xf32>
    %mul3A_23 = arith.mulf %dot_general3A_22, %mul3A : vector<1000x128xf32>
    %swap3A = arith.constant 0 : index
    %swap3A_24 = arith.constant 0 : index
    %swap3A_25 = vector.load %arg4[%swap3A, %swap3A_24] : memref<1000x128xf32, #tpu.memory_space<vmem>>, vector<1000x128xf32>
    tpu.vector_store %arg4[%swap3A, %swap3A_24], %mul3A_23 {strides = array<i32>} : memref<1000x128xf32, #tpu.memory_space<vmem>>, vector<1000x128xf32>,
    return
  }
  func.func @transform_0(%arg0: i32) -> (i32, i32) {
    %c0_i32 = arith.constant 0 : i32
    %c0_i32_0 = arith.constant 0 : i32
    return %arg0, %c0_i32 : i32, i32
  }
  func.func @transform_1(%arg0: i32) -> (i32, i32) {
    %c0_i32 = arith.constant 0 : i32
    %c0_i32_0 = arith.constant 0 : i32
    %c0_i32_1 = arith.constant 0 : i32
    return %c0_i32, %c0_i32_0 : i32, i32
  }
  func.func @transform_2(%arg0: i32) -> (i32, i32, i32) {
    %c0_i32 = arith.constant 0 : i32
    %c0_i32_0 = arith.constant 0 : i32
    %c0_i32_1 = arith.constant 0 : i32
    return %c0_i32, %arg0, %c0_i32_0 : i32, i32, i32
  }
  func.func @transform_3(%arg0: i32) -> (i32, i32) {
    %c0_i32 = arith.constant 0 : i32
    %c0_i32_0 = arith.constant 0 : i32
    return %arg0, %c0_i32 : i32, i32
  }
}

module attributes {stable_mosaic.version = 14 : i64} {
  func.func @_k4_body(%arg0: i32, %arg1: memref<2x1000x128xf32, #tpu.memory_space<vmem>>, %arg2: memref<1000x128xf32, #tpu.memory_space<vmem>>, %arg3: memref<2x1000x128xf32, #tpu.memory_space<vmem>>, %arg4: memref<1x128xf32, #tpu.memory_space<vmem>>, %arg5: memref<1x1x1000xi32, #tpu.memory_space<vmem>>, %arg6: memref<1000x128xf32, #tpu.memory_space<vmem>>, %arg7: memref<16x128xf32, #tpu.memory_space<vmem>>, %arg8: memref<16x128xf32, #tpu.memory_space<vmem>>, %arg9: memref<16x128xf32, #tpu.memory_space<vmem>>) attributes {dimension_semantics = [#tpu.dimension_semantics<arbitrary>], iteration_bounds = array<i64: 10>, scalar_prefetch = 0 : i64, scratch_operands = 2 : i64, tpu.core_type = #tpu.core_type<tc>, window_params = [{transform_indices = @transform_0, window_bounds = array<i64: 2, 1000, 128>}, {transform_indices = @transform_1, window_bounds = array<i64: 1000, 128>}, {transform_indices = @transform_2, window_bounds = array<i64: 2, 1000, 128>}, {pipeline_mode = #tpu.pipeline_mode<synchronous>, transform_indices = @transform_3, window_bounds = array<i64: 1, 128>}, {transform_indices = @transform_4, window_bounds = array<i64: 1, 1, 1000>}, {transform_indices = @transform_5, window_bounds = array<i64: 1000, 128>}, {pipeline_mode = #tpu.pipeline_mode<synchronous>, transform_indices = @transform_6, window_bounds = array<i64: 16, 128>}]} {
    %get3A = arith.constant 0 : index
    %get3A_0 = arith.constant 0 : index
    %get3A_1 = arith.constant 0 : index
    %get3A_2 = vector.load %arg3[%get3A, %get3A_0, %get3A_1] : memref<2x1000x128xf32, #tpu.memory_space<vmem>>, vector<1x1000x1xf32>
    %get3A_3 = vector.shape_cast %get3A_2 : vector<1x1000x1xf32> to vector<1000x1xf32>
    %get3A_4 = arith.constant 1 : index
    %get3A_5 = arith.constant 0 : index
    %get3A_6 = arith.constant 0 : index
    %get3A_7 = vector.load %arg3[%get3A_4, %get3A_5, %get3A_6] : memref<2x1000x128xf32, #tpu.memory_space<vmem>>, vector<1x1000x1xf32>
    %get3A_8 = vector.shape_cast %get3A_7 : vector<1x1000x1xf32> to vector<1000x1xf32>
    %add3A = arith.addf %get3A_3, %get3A_8 : vector<1000x1xf32>
    %add3A_9 = arith.constant 1.000000e+00 : f32
    %add3A_10 = vector.broadcast %add3A_9 : f32 to vector<1000x1xf32>
    %add3A_11 = arith.addf %add3A, %add3A_10 : vector<1000x1xf32>
    %max3A = arith.constant 1.000000e+00 : f32
    %max3A_12 = vector.broadcast %max3A : f32 to vector<1000x1xf32>
    %max3A_13 = arith.maximumf %add3A_11, %max3A_12 : vector<1000x1xf32>
    %sqrt3A = math.sqrt %max3A_13 : vector<1000x1xf32>
    %div3A = arith.constant 1.000000e+00 : f32
    %div3A_14 = vector.broadcast %div3A : f32 to vector<1000x1xf32>
    %div3A_15 = arith.divf %div3A_14, %sqrt3A : vector<1000x1xf32>
    %get3A_16 = arith.constant 0 : index
    %get3A_17 = arith.constant 0 : index
    %get3A_18 = arith.constant 0 : index
    %get3A_19 = vector.load %arg1[%get3A_16, %get3A_17, %get3A_18] : memref<2x1000x128xf32, #tpu.memory_space<vmem>>, vector<1x1000x128xf32>
    %get3A_20 = vector.shape_cast %get3A_19 : vector<1x1000x128xf32> to vector<1000x128xf32>
    %get3A_21 = arith.constant 1 : index
    %get3A_22 = arith.constant 0 : index
    %get3A_23 = arith.constant 0 : index
    %get3A_24 = vector.load %arg1[%get3A_21, %get3A_22, %get3A_23] : memref<2x1000x128xf32, #tpu.memory_space<vmem>>, vector<1x1000x128xf32>
    %get3A_25 = vector.shape_cast %get3A_24 : vector<1x1000x128xf32> to vector<1000x128xf32>
    %add3A_26 = arith.addf %get3A_20, %get3A_25 : vector<1000x128xf32>
    %get3A_27 = arith.constant 0 : index
    %get3A_28 = arith.constant 0 : index
    %get3A_29 = vector.load %arg2[%get3A_27, %get3A_28] : memref<1000x128xf32, #tpu.memory_space<vmem>>, vector<1000x128xf32>
    %sub3A = arith.subf %add3A_26, %get3A_29 : vector<1000x128xf32>
    %mul3A = vector.broadcast %div3A_15 : vector<1000x1xf32> to vector<1000x128xf32>
    %mul3A_30 = arith.mulf %sub3A, %mul3A : vector<1000x128xf32>
    %get3A_31 = arith.constant 0 : index
    %get3A_32 = arith.constant 0 : index
    %get3A_33 = vector.load %arg4[%get3A_31, %get3A_32] : memref<1x128xf32, #tpu.memory_space<vmem>>, vector<1x128xf32>
    %add3A_34 = vector.broadcast %get3A_33 : vector<1x128xf32> to vector<1000x128xf32>
    %add3A_35 = arith.addf %mul3A_30, %add3A_34 : vector<1000x128xf32>
    %swap3A = arith.constant 0 : index
    %swap3A_36 = arith.constant 0 : index
    %swap3A_37 = vector.load %arg6[%swap3A, %swap3A_36] : memref<1000x128xf32, #tpu.memory_space<vmem>>, vector<1000x128xf32>
    tpu.vector_store %arg6[%swap3A, %swap3A_36], %add3A_35 {strides = array<i32>} : memref<1000x128xf32, #tpu.memory_space<vmem>>, vector<1000x128xf32>,
    %iota3A = tpu.iota {dimensions = array<i32: 0>} : vector<16x1000xi32>
    %get3A_38 = arith.constant 0 : index
    %get3A_39 = arith.constant 0 : index
    %get3A_40 = arith.constant 0 : index
    %get3A_41 = vector.load %arg5[%get3A_38, %get3A_39, %get3A_40] : memref<1x1x1000xi32, #tpu.memory_space<vmem>>, vector<1x1x1000xi32>
    %get3A_42 = vector.shape_cast %get3A_41 : vector<1x1x1000xi32> to vector<1x1000xi32>
    %eq3A = vector.broadcast %get3A_42 : vector<1x1000xi32> to vector<16x1000xi32>
    %eq3A_43 = arith.cmpi eq, %iota3A, %eq3A : vector<16x1000xi32>
    %convert_element_type3A = arith.extui %eq3A_43 : vector<16x1000xi1> to vector<16x1000xi32>
    %convert_element_type3A_44 = arith.sitofp %convert_element_type3A : vector<16x1000xi32> to vector<16x1000xf32>
    %dot_general3A = arith.constant dense<0.000000e+00> : vector<16x128xf32>
    %dot_general3A_45 = tpu.matmul %convert_element_type3A_44, %add3A_35, %dot_general3A {dimension_numbers = #tpu.dot_dimension_numbers<[1], [0], [0], [1], [0, 0, 1, 1], [], []>, precision = #tpu.contract_precision<fp32>, transpose_lhs_hint = false} : vector<16x1000xf32>, vector<1000x128xf32>, vector<16x128xf32> -> vector<16x128xf32>
    %reduce_sum3A = arith.constant dense<0.000000e+00> : vector<16xf32>
    %reduce_sum3A_46 = vector.multi_reduction <add>, %convert_element_type3A_44, %reduce_sum3A [1] : vector<16x1000xf32> to vector<16xf32>
    %broadcast_in_dim3A = vector.shape_cast %reduce_sum3A_46 : vector<16xf32> to vector<16x1xf32>
    %eq3A_47 = arith.constant 0 : i32
    %eq3A_48 = arith.cmpi eq, %arg0, %eq3A_47 : i32
    %convert_element_type3A_49 = arith.extui %eq3A_48 : i1 to i32
    %cond3A = arith.constant 0 : i32
    %cond3A_50 = arith.cmpi ne, %convert_element_type3A_49, %cond3A : i32
    scf.if %cond3A_50 {
      %swap3A_60 = arith.constant 0 : index
      %swap3A_61 = arith.constant 0 : index
      %swap3A_62 = vector.load %arg8[%swap3A_60, %swap3A_61] : memref<16x128xf32, #tpu.memory_space<vmem>>, vector<16x128xf32>
      tpu.vector_store %arg8[%swap3A_60, %swap3A_61], %dot_general3A_45 {strides = array<i32>} : memref<16x128xf32, #tpu.memory_space<vmem>>, vector<16x128xf32>,
      %broadcast_in_dim3A_63 = vector.shape_cast %broadcast_in_dim3A : vector<16x1xf32> to vector<16x1xf32>
      %broadcast_in_dim3A_64 = vector.broadcast %broadcast_in_dim3A_63 : vector<16x1xf32> to vector<16x128xf32>
      %swap3A_65 = arith.constant 0 : index
      %swap3A_66 = arith.constant 0 : index
      %swap3A_67 = vector.load %arg9[%swap3A_65, %swap3A_66] : memref<16x128xf32, #tpu.memory_space<vmem>>, vector<16x128xf32>
      tpu.vector_store %arg9[%swap3A_65, %swap3A_66], %broadcast_in_dim3A_64 {strides = array<i32>} : memref<16x128xf32, #tpu.memory_space<vmem>>, vector<16x128xf32>,
    } else {
    }
    %gt3A = arith.constant 0 : i32
    %gt3A_51 = arith.cmpi sgt, %arg0, %gt3A : i32
    %convert_element_type3A_52 = arith.extui %gt3A_51 : i1 to i32
    %cond3A_53 = arith.constant 0 : i32
    %cond3A_54 = arith.cmpi ne, %convert_element_type3A_52, %cond3A_53 : i32
    scf.if %cond3A_54 {
      %get3A_60 = arith.constant 0 : index
      %get3A_61 = arith.constant 0 : index
      %get3A_62 = vector.load %arg8[%get3A_60, %get3A_61] : memref<16x128xf32, #tpu.memory_space<vmem>>, vector<16x128xf32>
      %add3A_63 = arith.addf %get3A_62, %dot_general3A_45 : vector<16x128xf32>
      %swap3A_64 = arith.constant 0 : index
      %swap3A_65 = arith.constant 0 : index
      %swap3A_66 = vector.load %arg8[%swap3A_64, %swap3A_65] : memref<16x128xf32, #tpu.memory_space<vmem>>, vector<16x128xf32>
      tpu.vector_store %arg8[%swap3A_64, %swap3A_65], %add3A_63 {strides = array<i32>} : memref<16x128xf32, #tpu.memory_space<vmem>>, vector<16x128xf32>,
      %get3A_67 = arith.constant 0 : index
      %get3A_68 = arith.constant 0 : index
      %get3A_69 = vector.load %arg9[%get3A_67, %get3A_68] : memref<16x128xf32, #tpu.memory_space<vmem>>, vector<16x128xf32>
      %broadcast_in_dim3A_70 = vector.shape_cast %broadcast_in_dim3A : vector<16x1xf32> to vector<16x1xf32>
      %broadcast_in_dim3A_71 = vector.broadcast %broadcast_in_dim3A_70 : vector<16x1xf32> to vector<16x128xf32>
      %add3A_72 = arith.addf %get3A_69, %broadcast_in_dim3A_71 : vector<16x128xf32>
      %swap3A_73 = arith.constant 0 : index
      %swap3A_74 = arith.constant 0 : index
      %swap3A_75 = vector.load %arg9[%swap3A_73, %swap3A_74] : memref<16x128xf32, #tpu.memory_space<vmem>>, vector<16x128xf32>
      tpu.vector_store %arg9[%swap3A_73, %swap3A_74], %add3A_72 {strides = array<i32>} : memref<16x128xf32, #tpu.memory_space<vmem>>, vector<16x128xf32>,
    } else {
    }
    %eq3A_55 = arith.constant 9 : i32
    %eq3A_56 = arith.cmpi eq, %arg0, %eq3A_55 : i32
    %convert_element_type3A_57 = arith.extui %eq3A_56 : i1 to i32
    %cond3A_58 = arith.constant 0 : i32
    %cond3A_59 = arith.cmpi ne, %convert_element_type3A_57, %cond3A_58 : i32
    scf.if %cond3A_59 {
      %get3A_60 = arith.constant 0 : index
      %get3A_61 = arith.constant 0 : index
      %get3A_62 = vector.load %arg8[%get3A_60, %get3A_61] : memref<16x128xf32, #tpu.memory_space<vmem>>, vector<16x128xf32>
      %get3A_63 = arith.constant 0 : index
      %get3A_64 = arith.constant 0 : index
      %get3A_65 = vector.load %arg9[%get3A_63, %get3A_64] : memref<16x128xf32, #tpu.memory_space<vmem>>, vector<16x128xf32>
      %max3A_66 = arith.constant 1.000000e+00 : f32
      %max3A_67 = vector.broadcast %max3A_66 : f32 to vector<16x128xf32>
      %max3A_68 = arith.maximumf %get3A_65, %max3A_67 : vector<16x128xf32>
      %div3A_69 = arith.divf %get3A_62, %max3A_68 : vector<16x128xf32>
      %swap3A_70 = arith.constant 0 : index
      %swap3A_71 = arith.constant 0 : index
      %swap3A_72 = vector.load %arg7[%swap3A_70, %swap3A_71] : memref<16x128xf32, #tpu.memory_space<vmem>>, vector<16x128xf32>
      tpu.vector_store %arg7[%swap3A_70, %swap3A_71], %div3A_69 {strides = array<i32>} : memref<16x128xf32, #tpu.memory_space<vmem>>, vector<16x128xf32>,
    } else {
    }
    return
  }
  func.func @transform_0(%arg0: i32) -> (i32, i32, i32) {
    %c0_i32 = arith.constant 0 : i32
    %c0_i32_0 = arith.constant 0 : i32
    %c0_i32_1 = arith.constant 0 : i32
    return %c0_i32, %arg0, %c0_i32_0 : i32, i32, i32
  }
  func.func @transform_1(%arg0: i32) -> (i32, i32) {
    %c0_i32 = arith.constant 0 : i32
    %c0_i32_0 = arith.constant 0 : i32
    return %arg0, %c0_i32 : i32, i32
  }
  func.func @transform_2(%arg0: i32) -> (i32, i32, i32) {
    %c0_i32 = arith.constant 0 : i32
    %c0_i32_0 = arith.constant 0 : i32
    %c0_i32_1 = arith.constant 0 : i32
    return %c0_i32, %arg0, %c0_i32_0 : i32, i32, i32
  }
  func.func @transform_3(%arg0: i32) -> (i32, i32) {
    %c0_i32 = arith.constant 0 : i32
    %c0_i32_0 = arith.constant 0 : i32
    %c0_i32_1 = arith.constant 0 : i32
    return %c0_i32, %c0_i32_0 : i32, i32
  }
  func.func @transform_4(%arg0: i32) -> (i32, i32, i32) {
    %c0_i32 = arith.constant 0 : i32
    %c0_i32_0 = arith.constant 0 : i32
    %c0_i32_1 = arith.constant 0 : i32
    return %arg0, %c0_i32, %c0_i32_0 : i32, i32, i32
  }
  func.func @transform_5(%arg0: i32) -> (i32, i32) {
    %c0_i32 = arith.constant 0 : i32
    %c0_i32_0 = arith.constant 0 : i32
    return %arg0, %c0_i32 : i32, i32
  }
  func.func @transform_6(%arg0: i32) -> (i32, i32) {
    %c0_i32 = arith.constant 0 : i32
    %c0_i32_0 = arith.constant 0 : i32
    %c0_i32_1 = arith.constant 0 : i32
    return %c0_i32, %c0_i32_0 : i32, i32
  }
}

</mosaic_0001>

<sc_bundles>
// kernel: kernel.11.cloned.1.call-start
scs
__scs_entry_jumppad:
0x0: {  	(pc) =	sbr.rel $0x88, $3  }
0x1: {  	(tag) =	ssettag $0x0;
	lr =	simm.s32 $0x1  }
0x2: {  	[smem:$0x3F9A] =	sst lr;
	_ =	strace $0xD0000000  }
0x3: {  	_ = 	snop  }
0x4: {  	_ = 	snop  }
0x5: {  	_ = 	snop  }
0x6: {  	_ = 	snop  }
0x7: {  	_ = 	snop  }
__scs_overlays_trampoline_lowered:
0x8: {  	[smem:$0x3FA9] =	sst s0  }
0x9: {  	[smem:$0x3FAA] =	sst s1  }
0xa: {  	[smem:$0x3FAB] =	sst s2  }
0xb: {  	[smem:$0x3FAC] =	sst s3  }
0xc: {  	[smem:$0x3FAD] =	sst s4  }
0xd: {  	[smem:$0x3FAE] =	sst s5  }
0xe: {  	[smem:$0x3FAF] =	sst s6  }
0xf: {  	[smem:$0x3FB0] =	sst s7  }
0x10: {  	[smem:$0x3FB1] =	sst s8  }
0x11: {  	[smem:$0x3FB2] =	sst s9;
	s0 =	simm.s32 @!p0 $0x0  }
0x12: {  	s1 =	sld [smem:$0x3F98];
	s0 =	simm.s32 @p0 $0x1  }
0x13: {  	[smem:$0x3FB3] =	sst s0;
	s0 =	simm.s32 @!p1 $0x0  }
0x14: {  	s2 =	sld [smem:$0x3F97];
	s0 =	simm.s32 @p1 $0x1  }
0x15: {  	[smem:$0x3FB4] =	sst s0;
	s0 =	simm.s32 @!p2 $0x0  }
0x16: {  	s3 =	sld [smem:$0x3FDB];
	s0 =	simm.s32 @p2 $0x1  }
0x17: {  	s4 =	simm.s32 $0x1BF5;
	[smem:$0x3FB6] =	sst s0  }
0x18: {  	s0 =	sld [smem:$0x3F99];
	_ =	swait.ge [sflag:s4], $0x0  }
0x19: {  	s7 =	sld [smem:$0x3F9A]  }
0x1a: {  	s8 =	sadd.s32 $0xFFFFE003, lr  }
0x1b: {  	s9 =	sadd.s32 $0xFFFFFEF7, lr;
	s5 =	simm.s32 $0xFFFFFFFF;
	p2 =	slt.u32 s8, $0xFFFFF086  }
0x1c: {  	p1 =	slt.u32 s9, $0xF7A;
	s5 =	simm.s32 @!p2 $0x0  }
0x1d: {  	s5 =	simm.s32 @p1 $0x1;
	p0 =	seq.s32 s7, s2  }
0x1e: {  	s7 =	smul.u32 @!p0 $0xF7A, s2;
	p2 =	seq.s32 @!p0 s5, $0x0  }
0x1f: {  	s9 =	smul.u32 $0xF7A, s1;
	s8 =	simm.s32 @!p0 $0x1BF5;
	p2 =	por !p2, p0  }
0x20: {  	[sflag:s8] =	ssyncset.s32 @!p0 $0xFFFFF086;
	s6 =	sadd.s32 @!p0 s3, s7;
	s7 =	simm.s32 @!p0 $0x108  }
0x21: {  	s3 =	sadd.s32 s3, s9;
	s6 =	sadd.s32 @!p0 $0x88, s6;
	s7 =	simm.s32 @p2 $0x1082  }
0x22: {  	[simem:s7], [sflag:s8] =	dma.local @!p0 [hbm:s6], $0xF7A  }
0x23: {  	s9 =	sor.u32 $0xD0000000, s2;
	s6 =	simm.s32 $0x108;
	_ =	swait.ge @!p0 [sflag:s8], $0x0  }
0x24: {  	s3 =	sadd.s32 $0x88, s3;
	s6 =	simm.s32 @!p1 $0x1082;
	[sflag:s4] =	ssyncset.s32 $0xFFFFF086  }
0x25: {  	[simem:s6], [sflag:s4] =	dma.local [hbm:s3], $0xF7A  }
0x26: {  	[smem:$0x3F9A] =	sst s1;
	(tag) =	ssettag s2;
	_ =	strace s9  }
0x27: {  	s1 =	sld [smem:$0x3FAA]  }
0x28: {  	s2 =	sld [smem:$0x3FAB]  }
0x29: {  	s4 =	sld [smem:$0x3FAD]  }
0x2a: {  	p0 =	seq.s32 s5, $0x0;
	s5 =	sld [smem:$0x3FAE]  }
0x2b: {  	s6 =	sld [smem:$0x3FAF]  }
0x2c: {  	s7 =	sld [smem:$0x3FB0]  }
0x2d: {  	s3 =	simm.s32 $0x108;
	s8 =	sld [smem:$0x3FB1]  }
0x2e: {  	s3 =	simm.s32 @!p0 $0x1082;
	s9 =	sld [smem:$0x3FB2]  }
0x2f: {  	lr =	sadd.s32 s0, s3;
	s0 =	sld [smem:$0x3FA9]  }
0x30: {  	s3 =	sld [smem:$0x3FAC]  }
0x31: {  	[smem:$0x3FB5] =	sst s10  }
0x32: {  	s10 =	sld [smem:$0x3FB3];
	_ =	sdelay $0x3  }
0x33: {  	p0 =	seq.s32 s10, $0x1;
	s10 =	sld [smem:$0x3FB5];
	_ =	sdelay $0x3  }
0x34: {  	[smem:$0x3FB5] =	sst s10  }
0x35: {  	s10 =	sld [smem:$0x3FB4];
	_ =	sdelay $0x3  }
0x36: {  	p1 =	seq.s32 s10, $0x1;
	s10 =	sld [smem:$0x3FB5];
	_ =	sdelay $0x3  }
0x37: {  	[smem:$0x3FB5] =	sst s10  }
0x38: {  	s10 =	sld [smem:$0x3FB6]  }
0x39: {  	_ = 	snop;
	(pc) =	sbr.ind lr, $3  }
0x3a: {  	_ = 	snop  }
0x3b: {  	_ = 	snop  }
0x3c: {  	p2 =	seq.s32 s10, $0x1;
	s10 =	sld [smem:$0x3FB5]  }
0x3d: {  	_ =	shalt  }
0x3e: {  	_ =	shalt  }
0x3f: {  	_ =	shalt  }
0x40: {  	_ =	shalt  }
0x41: {  	_ =	shalt  }
0x42: {  	_ =	shalt  }
0x43: {  	_ =	shalt  }
0x44: {  	_ =	shalt  }
0x45: {  	_ =	shalt  }
0x46: {  	_ =	shalt  }
0x47: {  	_ =	shalt  }
0x48: {  	_ =	shalt  }
0x49: {  	_ =	shalt  }
0x4a: {  	_ =	shalt  }
0x4b: {  	_ =	shalt  }
0x4c: {  	_ =	shalt  }
0x4d: {  	_ =	shalt  }
0x4e: {  	_ =	shalt  }
0x4f: {  	_ =	shalt  }
0x50: {  	_ =	shalt  }
0x51: {  	_ =	shalt  }
0x52: {  	_ =	shalt  }
0x53: {  	_ =	shalt  }
0x54: {  	_ =	shalt  }
0x55: {  	_ =	shalt  }
0x56: {  	_ =	shalt  }
0x57: {  	_ =	shalt  }
0x58: {  	_ =	shalt  }
0x59: {  	_ =	shalt  }
0x5a: {  	_ =	shalt  }
0x5b: {  	_ =	shalt  }
0x5c: {  	_ =	shalt  }
0x5d: {  	_ =	shalt  }
0x5e: {  	_ =	shalt  }
0x5f: {  	_ =	shalt  }
0x60: {  	_ =	shalt  }
0x61: {  	_ =	shalt  }
0x62: {  	_ =	shalt  }
0x63: {  	_ =	shalt  }
0x64: {  	_ =	shalt  }
0x65: {  	_ =	shalt  }
0x66: {  	_ =	shalt  }
0x67: {  	_ =	shalt  }
0x68: {  	_ =	shalt  }
0x69: {  	_ =	shalt  }
0x6a: {  	_ =	shalt  }
0x6b: {  	_ =	shalt  }
0x6c: {  	_ =	shalt  }
0x6d: {  	_ =	shalt  }
0x6e: {  	_ =	shalt  }
0x6f: {  	_ =	shalt  }
0x70: {  	_ =	shalt  }
0x71: {  	_ =	shalt  }
0x72: {  	_ =	shalt  }
0x73: {  	_ =	shalt  }
0x74: {  	_ =	shalt  }
0x75: {  	_ =	shalt  }
0x76: {  	_ =	shalt  }
0x77: {  	_ =	shalt  }
0x78: {  	_ =	shalt  }
0x79: {  	_ =	shalt  }
0x7a: {  	_ =	shalt  }
0x7b: {  	_ =	shalt  }
0x7c: {  	_ =	shalt  }
0x7d: {  	_ =	shalt  }
0x7e: {  	_ =	shalt  }
0x7f: {  	_ =	shalt  }
0x80: {  	_ =	shalt  }
0x81: {  	_ =	shalt  }
0x82: {  	_ =	shalt  }
0x83: {  	_ =	shalt  }
0x84: {  	_ =	shalt  }
0x85: {  	_ =	shalt  }
0x86: {  	_ =	shalt  }
0x87: {  	_ =	shalt  }
.Lfunc_end0:
.L_simem_size_0:
called_computation.1_lowered:
.L_overlay_start_0:
0x88: {  	s2 =	sld [smem:$0x3FD9]  }
0x89: {  	s3 =	sld [smem:$0x3FFE];
	_ =	sdelay $0x1  }
0x8a: {  	s1 =	srdreg.scid  }
0x8b: {  	s0 =	sand.u32 $0x1, s1  }
0x8c: {  	s14 =	sshll.u32 s0, $0xA;
	s2 =	sadd.s32 s3, s2  }
0x8d: {  	s2 =	sadd.s32 s2, s14  }
0x8e: {  	[smem:$0x3FC1] =	sst s2  }
0x8f: {  	_ = 	snop  }
0x90: {  	s2 =	sld [smem:$0x3FD0];
	_ =	sdelay $0x2  }
0x91: {  	s15 =	simm.s32 $0xA;
	s4 =	simm.s32 $0x10  }
0x92: {  	[smem:s4], [sflag:s15] =	dma.local [hbm:s2], $0x1  }
0x93: {  	_ =	swait.eq [sflag:s15], $0x1  }
0x94: {  	[sflag:s15] =	ssyncset.done $0x0  }
0x95: {  	[sflag:s15] =	ssyncadd.s32 $0xFFFFFFFF  }
0x96: {  	s16 =	sld [smem:$0x10];
	(tm) =	ssettm $0x1  }
0x97: {  	s17 =	sld [smem:$0x3FFB];
	_ =	sdelay $0x3  }
0x98: {  	_ =	strace s17  }
0x99: {  	s3 =	sld [smem:$0x3FFC];
	_ =	sdelay $0x3  }
0x9a: {  	_ =	strace s3  }
0x9b: {  	s3 =	sld [smem:$0x3FFD];
	_ =	sdelay $0x3  }
0x9c: {  	_ =	strace s3  }
0x9d: {  	_ =	strace $0x8FFFFFFF  }
0x9e: {  	s18 =	sld [smem:$0x3FDB];
	_ =	sdelay $0x1  }
0x9f: {  	s19 =	simm.s32 $_scs_section_size  }
0xa0: {  	s5 =	simm.s32 $_size__tile_overlayer_lowered;
	s6 =	simm.s32 $_tile_overlayer_lowered  }
0xa1: {  	s22 =	simm.s32 $0x1BFF;
	s21 =	sshll.u32 s6, $0x1;
	s3 =	sadd.s32 s19, s18  }
0xa2: {  	s7 =	simm.s32 $0x0;
	s20 =	sshll.u32 s5, $0x1;
	s5 =	sadd.s32 s21, s3  }
0xa3: {  	[timem:s7], [sflag:s22] =	dma.local [hbm:s5], s20  }
0xa4: {  	_ =	swait.ge [sflag:s22], s20  }
0xa5: {  	s4 =	ssub.s32 $0x0, s20;
	[sflag:s22] =	ssyncset.done $0x0  }
0xa6: {  	[sflag:s22] =	ssyncadd.s32 s4;
	_ =	sdelay $0x1  }
0xa7: {  	s23 =	simm.s32 $0x1B8B  }
0xa8: {  	_ =	swait.ge [sflag:s23], $0x1  }
0xa9: {  	[sflag:s23] =	ssyncset.done $0x0  }
0xaa: {  	s25 =	simm.s32 $0x1B8E;
	s24 =	sld [smem:$0x3FFE];
	[sflag:s23] =	ssyncadd.s32 $0xFFFFFFFF  }
0xab: {  	s26 =	simm.s32 $execute0_lowered;
	[smem:$0x3FD2] =	sst s25  }
0xac: {  	s5 =	sshll.u32 s26, $0x1;
	_ =	strace $0x80000049;
	[dreg:$0x1] =	wrdreg $0xFFFFFFFF  }
0xad: {  	s28 =	simm.s32 $_size_execute0_lowered;
	s3 =	sadd.s32 s3, s5;
	[dreg:$0x0] =	wrdreg $0x0  }
0xae: {  	s5 =	sshll.u32 s28, $0x1;
	[dreg:$0x2] =	wrdreg s3  }
0xaf: {  	[dreg:$0x3] =	wrdreg s5  }
0xb0: {  	[dreg:$0x4] =	wrdreg $0xC0  }
0xb1: {  	_ =	task [dreg:s7], $0x5FFFF  }
0xb2: {  	[dreg:$0x1] =	wrdreg $0xFFFFFFFF  }
0xb3: {  	[dreg:$0x0] =	wrdreg $0x60  }
0xb4: {  	[dreg:$0x2] =	wrdreg s16  }
0xb5: {  	[dreg:$0x3] =	wrdreg s24  }
0xb6: {  	[dreg:$0x4] =	wrdreg $0xBD800  }
0xb7: {  	[dreg:$0x5] =	wrdreg $0x9  }
0xb8: {  	_ =	task.clear_ibuf [dreg:s7], $0x6FFFF;
	_ =	strace $0x90000049  }
0xb9: {  	s29 =	simm.s32 $0x9;
	_ =	strace $0x8000004B  }
0xba: {  	_ =	swait.ge [sflag:s29], $0x1  }
0xbb: {  	[sflag:s29] =	ssyncadd.s32 $0xFFFFFFFF  }
0xbc: {  	_ =	strace $0x9000004B  }
0xbd: {  	_ =	sfence  }
0xbe: {  	s30 =	sld [smem:$0x0];
	_ =	sdelay $0x2  }
0xbf: {  	s31 =	sshll.u32 s1, $0xD;
	s1 =	sshrl.u32 s1, $0x2  }
0xc0: {  	s3 =	sand.u32 $0x4000, s31;
	s1 =	sadd.s32 s1, s30  }
0xc1: {  	s0 =	sor.u32 s3, s0;
	s1 =	sshll.u32 s1, $0x11  }
0xc2: {  	s0 =	sor.u32 s1, s0  }
0xc3: {  	s0 =	sadd.s32 $0x8F2B, s0  }
0xc4: {  	[sflag:s0] =	ssyncadd.remote.s32 $0x1  }
0xc5: {  	_ =	sfence.sel $0xFFFF  }
0xc6: {  	[dreg:$0x0] =	wrdreg $0xFFFFFFFF;
	(pc) =	sbr.abs _section_cstart, $3  }
0xc7: {  	[dreg:$0x1] =	wrdreg $0xFFFFFFFF  }
0xc8: {  	_ =	task.clear_ibuf [dreg:s7], $0x2FFFF;
	_ =	strace $0x9FFFFFFF  }
0xc9: {  	(tm) =	ssettm $0x7FFFFFFF  }
tec
execute0_lowered:
.L_overlay_start_1:
0x0: {  	(tag) =	ssettag $0x1  }
0x1: {  	s1 =	rddreg [dreg:$0x0]  }
0x2: {  	s0 =	rddreg [dreg:$0x1]  }
0x3: {  	s2 =	rddreg [dreg:$0x2];
	s3 =	srdreg.scid  }
0x4: {  	s4 =	simm.s32 $0x0;
	s14 =	stileid.u32;
	s29 =	simm.s32 $0x9580  }
0x5: {  	s30 =	simm.s32 $0xA980;
	s31 =	simm.s32 $0x4;
	s7 =	smul.u32 $0x4E000, s14  }
0x6: {  	s28 =	simm.s32 $0x2;
	s3 =	sand.u32 $0x1, s3;
	s11 =	smul.u32 $0x2700, s14  }
0x7: {  	[smem:$0x7FF] =	sst s4;
	s13 =	sadd.s32 $0x124800, s2;
	s20 =	smul.u32 $0x13800, s14  }
0x8: {  	s17 =	sadd.s32 $0x24900, s1;
	s22 =	smul.u32 $0x2710, s14;
	p0 =	seq.s32 s14, $0xF  }
0x9: {  	s5 =	sshll.u32 s3, $0x4;
	_ =	strace $0x8000004A;
	s18 =	smul.u32 $0x138800, s3  }
0xa: {  	s9 =	ssub.s32 $0x2, s3;
	[dreg:$0x5] =	wrdreg s17;
	s3 =	smul.u32 $0x27100, s3  }
0xb: {  	s6 =	sor.u32 s14, s5;
	s10 =	sshrl.u32 s9, $0x1;
	s7 =	sshrl.u32 s7, $0x2  }
0xc: {  	s16 =	sadd.s32 s1, s11;
	s5 =	sshll.u32 s6, $0xC;
	s9 =	ssub.s32 s9, s10  }
0xd: {  	s7 =	sadd.s32 s7, s2;
	[dreg:$0x4] =	wrdreg s16;
	s6 =	smul.u32 $0x2710, s6  }
0xe: {  	s21 =	sadd.s32 s20, s18;
	s3 =	sadd.s32 s22, s3;
	s22 =	simm.s32 $0x8000  }
0xf: {  	s8 =	sadd.s32 s5, s0;
	s5 =	sadd.s32 $0x2600, s0;
	s0 =	sadd.s32 $0x9AA00, s0  }
0x10: {  	s24 =	sadd.s32 $0xC8, s3;
	s25 =	sadd.s32 $0xA0, s3;
	s26 =	smax.u32 s9, $0x1  }
0x11: {  	s10 =	sadd.s32 $0x78, s3;
	s20 =	sshrl.u32 @!p0 s7, $0x3;
	s3 =	simm.s32 $0x5  }
0x12: {  	s7 =	simm.s32 $0x3;
	s8 =	sadd.s32 $0x7AA00, s8;
	s19 =	sshrl.u32 s6, $0x3  }
0x13: {  	s6 =	sadd.s32 $0x28, s6;
	[dreg:$0xc] =	wrdreg s26;
	s26 =	simm.s32 $0x8180  }
0x14: {  	[dreg:$0x6] =	wrdreg s8;
	s12 =	sadd.s32 s5, s19;
	s6 =	sshrl.u32 s6, $0x3  }
0x15: {  	s8 =	sshrl.u32 s18, $0x3;
	s6 =	sadd.s32 s5, s6;
	[dreg:$0x7] =	wrdreg s12  }
0x16: {  	s18 =	sshrl.u32 @p0 s13, $0x3;
	s23 =	sadd.s32 $0xA, s12;
	[dreg:$0x8] =	wrdreg s6  }
0x17: {  	[dreg:$0x9] =	wrdreg s23;
	s6 =	sshrl.u32 s21, $0x3;
	s21 =	simm.s32 $0x7  }
0x18: {  	s23 =	simm.s32 $0x8080;
	s6 =	sadd.s32 s0, s6;
	s0 =	sadd.s32 s0, s8  }
.Ltmp0:
0x19: {  	s8 =	simm.s32 $0x0;
	[dreg:$0xa] =	wrdreg s6;
	(pc) =	sbr.rel .LBB2_1-.Ltmp0, $4  }
0x1a: {  	s0 =	sadd.s32 $0x24900, s0;
	s6 =	sshrl.u32 s25, $0x3;
	s25 =	simm.s32 $0x28  }
0x1b: {  	[dreg:$0xb] =	wrdreg s0;
	s0 =	sshrl.u32 s24, $0x3;
	s11 =	sadd.s32 s6, s5  }
0x1c: {  	s24 =	simm.s32 $0x8100;
	s12 =	sadd.s32 s0, s5;
	s0 =	sshll.u32 @!p0 s14, $0x6  }
0x1d: {  	s6 =	simm.s32 $0x6;
	s19 =	sor.u32 @!p0 $0x1C07, s0;
	s0 =	simm.s32 $0x1  }
.LBB2_4:
0x1e: {  	_ =	swait.ge [sflag:s6], $0x1400  }
0x1f: {  	[sflag:s6] =	ssyncset.done $0x0  }
0x20: {  	[sflag:s6] =	ssyncadd.s32 $0xFFFFEC00  }
0x21: {  	_ =	swait.ge [sflag:s7], $0x28  }
0x22: {  	[sflag:s7] =	ssyncset.done $0x0  }
0x23: {  	[sflag:s7] =	ssyncadd.s32 $0xFFFFFFD8  }
0x24: {  	[spmem:s2] =	stream.indirect.scatter.add.f32 [tilespmem:s30], [sflag:$0x7], $0x80, s24, s25, $0xb8;
	[tilespmem:$0x1F600] =	vst v63  }
0x25: {  	_ =	swait.ge [sflag:s21], $0x1400  }
0x26: {  	[sflag:s21] =	ssyncset.done $0x0  }
0x27: {  	[sflag:s21] =	ssyncadd.s32 $0xFFFFEC00  }
0x28: {  	_ =	swait.ge [sflag:s31], $0x1400  }
0x29: {  	[sflag:s31] =	ssyncset.done $0x0  }
0x2a: {  	[sflag:s31] =	ssyncadd.s32 $0xFFFFEC00  }
0x2b: {  	_ =	swait.ge [sflag:s0], $0x28  }
0x2c: {  	[sflag:s0] =	ssyncset.done $0x0  }
0x2d: {  	[sflag:s0] =	ssyncadd.s32 $0xFFFFFFD8  }
0x2e: {  	[spmem:s2] =	stream.indirect.scatter.add.f32 [tilespmem:s26], [sflag:$0x7], $0x80, s22, s25, $0xb8;
	[tilespmem:$0x1F600] =	vst v63  }
0x2f: {  	_ =	swait.ge [sflag:s21], $0x1400  }
0x30: {  	[sflag:s21] =	ssyncset.done $0x0  }
0x31: {  	[sflag:s21] =	ssyncadd.s32 $0xFFFFEC00  }
0x32: {  	[bflag:$0x0] =	sbarrier.arrive $0xFFFF  }
0x33: {  	s9 =	simm.s32 @p0 $0x1FC7;
	s13 =	rddreg [dreg:$0xb]  }
0x34: {  	[hbm:s13], [sflag:s9] =	dma.local @p0 [spmem:s18], $0x2800  }
0x35: {  	s9 =	simm.s32 @p0 $0x7  }
0x36: {  	_ =	swait.ge @p0 [sflag:s9], $0x2800  }
0x37: {  	[sflag:s9] =	ssyncset.done @p0 $0x0  }
0x38: {  	[sflag:s9] =	ssyncadd.s32 @p0 $0xFFFFD800;
	s9 =	rddreg [dreg:$0xa]  }
0x39: {  	[hbm:s9], [sflag:s19] =	dma.local @!p0 [spmem:s20], $0x2700  }
0x3a: {  	s9 =	simm.s32 @!p0 $0x7  }
0x3b: {  	_ =	swait.ge @!p0 [sflag:s9], $0x2700  }
0x3c: {  	s8 =	sadd.s32 $0x1, s8;
	s17 =	rddreg [dreg:$0xc]  }
0x3d: {  	p1 =	sne.s32 s8, s17  }
.Ltmp1:
0x3e: {  	_ = 	snop;
	(pc) =	sbr.rel @!p1 .LBB2_5-.Ltmp1, $3  }
0x3f: {  	_ =	sdelay $0x1  }
0x40: {  	[sflag:s9] =	ssyncset.done @!p0 $0x0  }
0x41: {  	[sflag:s9] =	ssyncadd.s32 @!p0 $0xFFFFD900  }
.LBB2_1:
0x42: {  	s9 =	simm.s32 @p0 $0x1FC7;
	s13 =	rddreg [dreg:$0x5]  }
0x43: {  	[spmem:s18], [sflag:s9] =	dma.local @p0 [hbm:s13], $0x2800  }
0x44: {  	s9 =	simm.s32 @p0 $0x7  }
0x45: {  	_ =	swait.ge @p0 [sflag:s9], $0x2800  }
0x46: {  	[sflag:s9] =	ssyncset.done @p0 $0x0  }
0x47: {  	[sflag:s9] =	ssyncadd.s32 @p0 $0xFFFFD800;
	s9 =	rddreg [dreg:$0x4]  }
0x48: {  	[spmem:s20], [sflag:s19] =	dma.local @!p0 [hbm:s9], $0x2700  }
0x49: {  	s9 =	simm.s32 @!p0 $0x7  }
0x4a: {  	_ =	swait.ge @!p0 [sflag:s9], $0x2700  }
0x4b: {  	[sflag:s9] =	ssyncset.done @!p0 $0x0  }
0x4c: {  	s13 =	rddreg [dreg:$0x6];
	[sflag:s9] =	ssyncadd.s32 @!p0 $0xFFFFD900  }
0x4d: {  	[tilespmem:s4], [sflag:$0x7] =	stream.linear.gather [hbm4b:s13+s4], $0x7D00, $0x38;
	[tilespmem:$0x1F600] =	vst v63  }
0x4e: {  	_ =	swait.ge [sflag:s21], $0x7D00  }
0x4f: {  	[sflag:s21] =	ssyncset.done $0x0  }
0x50: {  	[sflag:s21] =	ssyncadd.s32 $0xFFFF8300  }
0x51: {  	[bflag:$0x0] =	sbarrier.arrive $0xFFFF  }
0x52: {  	s14 =	rddreg [dreg:$0x7]  }
0x53: {  	[tilespmem:s22], [sflag:$0x1] =	stream.linear.gather [hbm4b:s14+s4], $0x28, $0x38;
	[tilespmem:$0x1F600] =	vst v63  }
0x54: {  	s15 =	rddreg [dreg:$0x8]  }
0x55: {  	[tilespmem:s23], [sflag:$0x2] =	stream.linear.gather [hbm4b:s15+s4], $0x28, $0x38;
	[tilespmem:$0x1F600] =	vst v63  }
0x56: {  	s16 =	rddreg [dreg:$0x9]  }
0x57: {  	[tilespmem:s24], [sflag:$0x3] =	stream.linear.gather [hbm4b:s16+s4], $0x28, $0x38;
	[tilespmem:$0x1F600] =	vst v63  }
0x58: {  	_ = 	snop  }
0x59: {  	[tilespmem:s26], [sflag:$0x4] =	stream.indirect.gather [hbm4b:s1+s25], $0x80, s4, s25, $0xb8;
	[tilespmem:$0x1F600] =	vst v63  }
0x5a: {  	s17 =	simm.s32 $0x80;
	s9 =	simm.s32 $0x0  }
0x5b: {  	[tilespmem:s29], [sflag:$0x5] =	stream.indirect.gather [hbm4b:s1+s25], $0x80, s17, s25, $0xb8;
	[tilespmem:$0x1F600] =	vst v63  }
0x5c: {  	s15 =	smov.u32 s12;
	s16 =	smov.u32 s11;
	s17 =	smov.u32 s10  }
.LBB2_2:
0x5d: {  	s13 =	sshra.s32 s9, $0x2  }
0x5e: {  	s14 =	sadd.s32 $0x100, s13  }
0x5f: {  	[tilespmem:s30], [sflag:$0x6] =	stream.indirect.gather [hbm4b:s1+s25], $0x80, s14, s25, $0xb8;
	[tilespmem:$0x1F600] =	vst v63  }
0x60: {  	_ =	swait.ge [sflag:s31], $0x1400  }
0x61: {  	[sflag:s31] =	ssyncset.done $0x0  }
0x62: {  	[sflag:s31] =	ssyncadd.s32 $0xFFFFEC00  }
0x63: {  	_ =	swait.ge [sflag:s0], $0x28  }
0x64: {  	[sflag:s0] =	ssyncset.done $0x0  }
0x65: {  	[sflag:s0] =	ssyncadd.s32 $0xFFFFFFD8  }
0x66: {  	[spmem:s2] =	stream.indirect.scatter.add.f32 [tilespmem:s26], [sflag:$0x7], $0x80, s22, s25, $0xb8;
	[tilespmem:$0x1F600] =	vst v63  }
0x67: {  	_ =	swait.ge [sflag:s21], $0x1400  }
0x68: {  	s14 =	sshrl.u32 s17, $0x3;
	[sflag:s21] =	ssyncset.done $0x0  }
0x69: {  	s14 =	sadd.s32 s5, s14;
	[sflag:s21] =	ssyncadd.s32 $0xFFFFEC00  }
0x6a: {  	[tilespmem:s22], [sflag:$0x1] =	stream.linear.gather [hbm4b:s14+s4], $0x28, $0x38;
	[tilespmem:$0x1F600] =	vst v63  }
0x6b: {  	s14 =	sadd.s32 $0x180, s13  }
0x6c: {  	[tilespmem:s26], [sflag:$0x4] =	stream.indirect.gather [hbm4b:s1+s25], $0x80, s14, s25, $0xb8;
	[tilespmem:$0x1F600] =	vst v63  }
0x6d: {  	_ =	swait.ge [sflag:s3], $0x1400  }
0x6e: {  	[sflag:s3] =	ssyncset.done $0x0  }
0x6f: {  	[sflag:s3] =	ssyncadd.s32 $0xFFFFEC00  }
0x70: {  	_ =	swait.ge [sflag:s28], $0x28  }
0x71: {  	p1 =	seq.s32 s9, $0x1EC00;
	[sflag:s28] =	ssyncset.done $0x0  }
.Ltmp2:
0x72: {  	[sflag:s28] =	ssyncadd.s32 $0xFFFFFFD8;
	(pc) =	sbr.rel @p1 .LBB2_4-.Ltmp2, $4  }
0x73: {  	[spmem:s2] =	stream.indirect.scatter.add.f32 [tilespmem:s29], [sflag:$0x7], $0x80, s23, s25, $0xb8;
	[tilespmem:$0x1F600] =	vst v63  }
0x74: {  	_ =	swait.ge [sflag:s21], $0x1400  }
0x75: {  	[sflag:s21] =	ssyncset.done $0x0  }
0x76: {  	[sflag:s21] =	ssyncadd.s32 $0xFFFFEC00  }
0x77: {  	[tilespmem:s23], [sflag:$0x2] =	stream.linear.gather [hbm4b:s16+s4], $0x28, $0x38;
	[tilespmem:$0x1F600] =	vst v63  }
0x78: {  	s13 =	sadd.s32 $0x200, s13  }
0x79: {  	[tilespmem:s29], [sflag:$0x5] =	stream.indirect.gather [hbm4b:s1+s25], $0x80, s13, s25, $0xb8;
	[tilespmem:$0x1F600] =	vst v63  }
0x7a: {  	_ =	swait.ge [sflag:s6], $0x1400  }
0x7b: {  	[sflag:s6] =	ssyncset.done $0x0  }
0x7c: {  	[sflag:s6] =	ssyncadd.s32 $0xFFFFEC00  }
0x7d: {  	_ =	swait.ge [sflag:s7], $0x28  }
0x7e: {  	[sflag:s7] =	ssyncset.done $0x0  }
0x7f: {  	[sflag:s7] =	ssyncadd.s32 $0xFFFFFFD8  }
0x80: {  	[spmem:s2] =	stream.indirect.scatter.add.f32 [tilespmem:s30], [sflag:$0x7], $0x80, s24, s25, $0xb8;
	[tilespmem:$0x1F600] =	vst v63  }
.Ltmp3:
0x81: {  	_ =	swait.ge [sflag:s21], $0x1400;
	(pc) =	sbr.rel .LBB2_2-.Ltmp3, $4  }
0x82: {  	[sflag:s21] =	ssyncset.done $0x0  }
0x83: {  	s16 =	sadd.s32 $0xF, s16;
	[sflag:s21] =	ssyncadd.s32 $0xFFFFEC00  }
0x84: {  	[tilespmem:s24], [sflag:$0x3] =	stream.linear.gather [hbm4b:s15+s4], $0x28, $0x38;
	[tilespmem:$0x1F600] =	vst v63  }
0x85: {  	s9 =	sadd.s32 $0x600, s9;
	s17 =	sadd.s32 $0x78, s17;
	s15 =	sadd.s32 $0xF, s15  }
.LBB2_5:
0x86: {  	_ =	sfence.sel $0x180000  }
0x87: {  	[bflag:$0x0] =	sbarrier.arrive $0xFFFF  }
0x88: {  	_ =	strace $0x9000004A  }
0x89: {  	s0 =	stileid.u32;
	[bflag:$0x2] =	sbarrier.arrive $0xFFFF  }
0x8a: {  	p0 =	sne.s32 s0, $0x0;
	s0 =	rddreg [dreg:$0x3]  }
0x8b: {  	s0 =	sadd.s32 @!p0 $0x100000, s0  }
0x8c: {  	[sflag:s0] =	ssyncadd.tile.s32 @!p0 $0x1;
	_ =	shalt  }
.Lfunc_end2:
_tile_overlayer_lowered:
.L_overlay_start_2:
0x8d: {  	(tag) =	ssettag $0x2  }
0x8e: {  	s0 =	rddreg [dreg:$0x0];
	s2 =	stileid.u32  }
0x8f: {  	s1 =	rddreg [dreg:$0x1];
	p0 =	sne.s32 s2, $0x0  }
0x90: {  	s3 =	rddreg [dreg:$0x2];
	[bflag:$0x3] =	sbarrier.arrive $0xFFFF;
	s2 =	simm.s32 @!p0 $0x1C07  }
0x91: {  	[timem:s3], [sflag:s2] =	dma.local @!p0 [hbm:s0], s1  }
0x92: {  	s0 =	simm.s32 @!p0 $0x7  }
0x93: {  	_ =	swait.ge @!p0 [sflag:s0], s1  }
0x94: {  	s1 =	ssub.s32 @!p0 $0x0, s1;
	[sflag:s0] =	ssyncset.done @!p0 $0x0  }
0x95: {  	[sflag:s0] =	ssyncadd.s32 @!p0 s1  }
0x96: {  	[bflag:$0x3] =	sbarrier.arrive $0xFFFF  }
0x97: {  	_ =	shalt  }

// kernel: kernel.14.cloned.1.call-start
scs
__scs_entry_jumppad:
0x0: {  	(pc) =	sbr.rel $0x88, $3  }
0x1: {  	(tag) =	ssettag $0x0;
	lr =	simm.s32 $0x1  }
0x2: {  	[smem:$0x3F9A] =	sst lr;
	_ =	strace $0xD0000000  }
0x3: {  	_ = 	snop  }
0x4: {  	_ = 	snop  }
0x5: {  	_ = 	snop  }
0x6: {  	_ = 	snop  }
0x7: {  	_ = 	snop  }
__scs_overlays_trampoline_lowered:
0x8: {  	[smem:$0x3FA9] =	sst s0  }
0x9: {  	[smem:$0x3FAA] =	sst s1  }
0xa: {  	[smem:$0x3FAB] =	sst s2  }
0xb: {  	[smem:$0x3FAC] =	sst s3  }
0xc: {  	[smem:$0x3FAD] =	sst s4  }
0xd: {  	[smem:$0x3FAE] =	sst s5  }
0xe: {  	[smem:$0x3FAF] =	sst s6  }
0xf: {  	[smem:$0x3FB0] =	sst s7  }
0x10: {  	[smem:$0x3FB1] =	sst s8  }
0x11: {  	[smem:$0x3FB2] =	sst s9;
	s0 =	simm.s32 @!p0 $0x0  }
0x12: {  	s1 =	sld [smem:$0x3F98];
	s0 =	simm.s32 @p0 $0x1  }
0x13: {  	[smem:$0x3FB3] =	sst s0;
	s0 =	simm.s32 @!p1 $0x0  }
0x14: {  	s2 =	sld [smem:$0x3F97];
	s0 =	simm.s32 @p1 $0x1  }
0x15: {  	[smem:$0x3FB4] =	sst s0;
	s0 =	simm.s32 @!p2 $0x0  }
0x16: {  	s3 =	sld [smem:$0x3FDB];
	s0 =	simm.s32 @p2 $0x1  }
0x17: {  	s4 =	simm.s32 $0x1BF5;
	[smem:$0x3FB6] =	sst s0  }
0x18: {  	s0 =	sld [smem:$0x3F99];
	_ =	swait.ge [sflag:s4], $0x0  }
0x19: {  	s7 =	sld [smem:$0x3F9A]  }
0x1a: {  	s8 =	sadd.s32 $0xFFFFE003, lr  }
0x1b: {  	s9 =	sadd.s32 $0xFFFFFEF7, lr;
	s5 =	simm.s32 $0xFFFFFFFF;
	p2 =	slt.u32 s8, $0xFFFFF086  }
0x1c: {  	p1 =	slt.u32 s9, $0xF7A;
	s5 =	simm.s32 @!p2 $0x0  }
0x1d: {  	s5 =	simm.s32 @p1 $0x1;
	p0 =	seq.s32 s7, s2  }
0x1e: {  	s7 =	smul.u32 @!p0 $0xF7A, s2;
	p2 =	seq.s32 @!p0 s5, $0x0  }
0x1f: {  	s9 =	smul.u32 $0xF7A, s1;
	s8 =	simm.s32 @!p0 $0x1BF5;
	p2 =	por !p2, p0  }
0x20: {  	[sflag:s8] =	ssyncset.s32 @!p0 $0xFFFFF086;
	s6 =	sadd.s32 @!p0 s3, s7;
	s7 =	simm.s32 @!p0 $0x108  }
0x21: {  	s3 =	sadd.s32 s3, s9;
	s6 =	sadd.s32 @!p0 $0x88, s6;
	s7 =	simm.s32 @p2 $0x1082  }
0x22: {  	[simem:s7], [sflag:s8] =	dma.local @!p0 [hbm:s6], $0xF7A  }
0x23: {  	s9 =	sor.u32 $0xD0000000, s2;
	s6 =	simm.s32 $0x108;
	_ =	swait.ge @!p0 [sflag:s8], $0x0  }
0x24: {  	s3 =	sadd.s32 $0x88, s3;
	s6 =	simm.s32 @!p1 $0x1082;
	[sflag:s4] =	ssyncset.s32 $0xFFFFF086  }
0x25: {  	[simem:s6], [sflag:s4] =	dma.local [hbm:s3], $0xF7A  }
0x26: {  	[smem:$0x3F9A] =	sst s1;
	(tag) =	ssettag s2;
	_ =	strace s9  }
0x27: {  	s1 =	sld [smem:$0x3FAA]  }
0x28: {  	s2 =	sld [smem:$0x3FAB]  }
0x29: {  	s4 =	sld [smem:$0x3FAD]  }
0x2a: {  	p0 =	seq.s32 s5, $0x0;
	s5 =	sld [smem:$0x3FAE]  }
0x2b: {  	s6 =	sld [smem:$0x3FAF]  }
0x2c: {  	s7 =	sld [smem:$0x3FB0]  }
0x2d: {  	s3 =	simm.s32 $0x108;
	s8 =	sld [smem:$0x3FB1]  }
0x2e: {  	s3 =	simm.s32 @!p0 $0x1082;
	s9 =	sld [smem:$0x3FB2]  }
0x2f: {  	lr =	sadd.s32 s0, s3;
	s0 =	sld [smem:$0x3FA9]  }
0x30: {  	s3 =	sld [smem:$0x3FAC]  }
0x31: {  	[smem:$0x3FB5] =	sst s10  }
0x32: {  	s10 =	sld [smem:$0x3FB3];
	_ =	sdelay $0x3  }
0x33: {  	p0 =	seq.s32 s10, $0x1;
	s10 =	sld [smem:$0x3FB5];
	_ =	sdelay $0x3  }
0x34: {  	[smem:$0x3FB5] =	sst s10  }
0x35: {  	s10 =	sld [smem:$0x3FB4];
	_ =	sdelay $0x3  }
0x36: {  	p1 =	seq.s32 s10, $0x1;
	s10 =	sld [smem:$0x3FB5];
	_ =	sdelay $0x3  }
0x37: {  	[smem:$0x3FB5] =	sst s10  }
0x38: {  	s10 =	sld [smem:$0x3FB6]  }
0x39: {  	_ = 	snop;
	(pc) =	sbr.ind lr, $3  }
0x3a: {  	_ = 	snop  }
0x3b: {  	_ = 	snop  }
0x3c: {  	p2 =	seq.s32 s10, $0x1;
	s10 =	sld [smem:$0x3FB5]  }
0x3d: {  	_ =	shalt  }
0x3e: {  	_ =	shalt  }
0x3f: {  	_ =	shalt  }
0x40: {  	_ =	shalt  }
0x41: {  	_ =	shalt  }
0x42: {  	_ =	shalt  }
0x43: {  	_ =	shalt  }
0x44: {  	_ =	shalt  }
0x45: {  	_ =	shalt  }
0x46: {  	_ =	shalt  }
0x47: {  	_ =	shalt  }
0x48: {  	_ =	shalt  }
0x49: {  	_ =	shalt  }
0x4a: {  	_ =	shalt  }
0x4b: {  	_ =	shalt  }
0x4c: {  	_ =	shalt  }
0x4d: {  	_ =	shalt  }
0x4e: {  	_ =	shalt  }
0x4f: {  	_ =	shalt  }
0x50: {  	_ =	shalt  }
0x51: {  	_ =	shalt  }
0x52: {  	_ =	shalt  }
0x53: {  	_ =	shalt  }
0x54: {  	_ =	shalt  }
0x55: {  	_ =	shalt  }
0x56: {  	_ =	shalt  }
0x57: {  	_ =	shalt  }
0x58: {  	_ =	shalt  }
0x59: {  	_ =	shalt  }
0x5a: {  	_ =	shalt  }
0x5b: {  	_ =	shalt  }
0x5c: {  	_ =	shalt  }
0x5d: {  	_ =	shalt  }
0x5e: {  	_ =	shalt  }
0x5f: {  	_ =	shalt  }
0x60: {  	_ =	shalt  }
0x61: {  	_ =	shalt  }
0x62: {  	_ =	shalt  }
0x63: {  	_ =	shalt  }
0x64: {  	_ =	shalt  }
0x65: {  	_ =	shalt  }
0x66: {  	_ =	shalt  }
0x67: {  	_ =	shalt  }
0x68: {  	_ =	shalt  }
0x69: {  	_ =	shalt  }
0x6a: {  	_ =	shalt  }
0x6b: {  	_ =	shalt  }
0x6c: {  	_ =	shalt  }
0x6d: {  	_ =	shalt  }
0x6e: {  	_ =	shalt  }
0x6f: {  	_ =	shalt  }
0x70: {  	_ =	shalt  }
0x71: {  	_ =	shalt  }
0x72: {  	_ =	shalt  }
0x73: {  	_ =	shalt  }
0x74: {  	_ =	shalt  }
0x75: {  	_ =	shalt  }
0x76: {  	_ =	shalt  }
0x77: {  	_ =	shalt  }
0x78: {  	_ =	shalt  }
0x79: {  	_ =	shalt  }
0x7a: {  	_ =	shalt  }
0x7b: {  	_ =	shalt  }
0x7c: {  	_ =	shalt  }
0x7d: {  	_ =	shalt  }
0x7e: {  	_ =	shalt  }
0x7f: {  	_ =	shalt  }
0x80: {  	_ =	shalt  }
0x81: {  	_ =	shalt  }
0x82: {  	_ =	shalt  }
0x83: {  	_ =	shalt  }
0x84: {  	_ =	shalt  }
0x85: {  	_ =	shalt  }
0x86: {  	_ =	shalt  }
0x87: {  	_ =	shalt  }
.Lfunc_end0:
.L_simem_size_0:
called_computation.2_lowered:
.L_overlay_start_0:
0x88: {  	s2 =	sld [smem:$0x3FD9]  }
0x89: {  	s3 =	sld [smem:$0x3FFE];
	_ =	sdelay $0x1  }
0x8a: {  	s1 =	srdreg.scid  }
0x8b: {  	s0 =	sand.u32 $0x1, s1  }
0x8c: {  	s14 =	sshll.u32 s0, $0xA;
	s2 =	sadd.s32 s3, s2  }
0x8d: {  	s2 =	sadd.s32 s2, s14  }
0x8e: {  	[smem:$0x3FC1] =	sst s2  }
0x8f: {  	_ = 	snop  }
0x90: {  	s2 =	sld [smem:$0x3FD0];
	_ =	sdelay $0x2  }
0x91: {  	s15 =	simm.s32 $0xA;
	s4 =	simm.s32 $0x10  }
0x92: {  	[smem:s4], [sflag:s15] =	dma.local [hbm:s2], $0x1  }
0x93: {  	_ =	swait.eq [sflag:s15], $0x1  }
0x94: {  	[sflag:s15] =	ssyncset.done $0x0  }
0x95: {  	[sflag:s15] =	ssyncadd.s32 $0xFFFFFFFF  }
0x96: {  	s16 =	sld [smem:$0x10];
	(tm) =	ssettm $0x1  }
0x97: {  	s17 =	sld [smem:$0x3FFB];
	_ =	sdelay $0x3  }
0x98: {  	_ =	strace s17  }
0x99: {  	s3 =	sld [smem:$0x3FFC];
	_ =	sdelay $0x3  }
0x9a: {  	_ =	strace s3  }
0x9b: {  	s3 =	sld [smem:$0x3FFD];
	_ =	sdelay $0x3  }
0x9c: {  	_ =	strace s3  }
0x9d: {  	_ =	strace $0x8FFFFFFF  }
0x9e: {  	s18 =	sld [smem:$0x3FDB];
	_ =	sdelay $0x1  }
0x9f: {  	s19 =	simm.s32 $_scs_section_size  }
0xa0: {  	s5 =	simm.s32 $_size__tile_overlayer_lowered;
	s6 =	simm.s32 $_tile_overlayer_lowered  }
0xa1: {  	s22 =	simm.s32 $0x1BFF;
	s21 =	sshll.u32 s6, $0x1;
	s3 =	sadd.s32 s19, s18  }
0xa2: {  	s7 =	simm.s32 $0x0;
	s20 =	sshll.u32 s5, $0x1;
	s5 =	sadd.s32 s21, s3  }
0xa3: {  	[timem:s7], [sflag:s22] =	dma.local [hbm:s5], s20  }
0xa4: {  	_ =	swait.ge [sflag:s22], s20  }
0xa5: {  	s4 =	ssub.s32 $0x0, s20;
	[sflag:s22] =	ssyncset.done $0x0  }
0xa6: {  	[sflag:s22] =	ssyncadd.s32 s4;
	_ =	sdelay $0x1  }
0xa7: {  	s23 =	simm.s32 $0x1B8B  }
0xa8: {  	_ =	swait.ge [sflag:s23], $0x1  }
0xa9: {  	[sflag:s23] =	ssyncset.done $0x0  }
0xaa: {  	s25 =	simm.s32 $0x1B8E;
	s24 =	sld [smem:$0x3FFE];
	[sflag:s23] =	ssyncadd.s32 $0xFFFFFFFF  }
0xab: {  	s26 =	simm.s32 $execute0_lowered;
	[smem:$0x3FD2] =	sst s25  }
0xac: {  	s5 =	sshll.u32 s26, $0x1;
	_ =	strace $0x8000004C;
	[dreg:$0x1] =	wrdreg $0xFFFFFFFF  }
0xad: {  	s28 =	simm.s32 $_size_execute0_lowered;
	s3 =	sadd.s32 s3, s5;
	[dreg:$0x0] =	wrdreg $0x0  }
0xae: {  	s5 =	sshll.u32 s28, $0x1;
	[dreg:$0x2] =	wrdreg s3  }
0xaf: {  	[dreg:$0x3] =	wrdreg s5  }
0xb0: {  	[dreg:$0x4] =	wrdreg $0xC0  }
0xb1: {  	_ =	task [dreg:s7], $0x5FFFF  }
0xb2: {  	[dreg:$0x1] =	wrdreg $0xFFFFFFFF  }
0xb3: {  	[dreg:$0x0] =	wrdreg $0x60  }
0xb4: {  	[dreg:$0x2] =	wrdreg s16  }
0xb5: {  	[dreg:$0x3] =	wrdreg s24  }
0xb6: {  	[dreg:$0x4] =	wrdreg $0xBD800  }
0xb7: {  	[dreg:$0x5] =	wrdreg $0x9  }
0xb8: {  	_ =	task.clear_ibuf [dreg:s7], $0x6FFFF;
	_ =	strace $0x9000004C  }
0xb9: {  	s29 =	simm.s32 $0x9;
	_ =	strace $0x8000004E  }
0xba: {  	_ =	swait.ge [sflag:s29], $0x1  }
0xbb: {  	[sflag:s29] =	ssyncadd.s32 $0xFFFFFFFF  }
0xbc: {  	_ =	strace $0x9000004E  }
0xbd: {  	_ =	sfence  }
0xbe: {  	s30 =	sld [smem:$0x0];
	_ =	sdelay $0x2  }
0xbf: {  	s31 =	sshll.u32 s1, $0xD;
	s1 =	sshrl.u32 s1, $0x2  }
0xc0: {  	s3 =	sand.u32 $0x4000, s31;
	s1 =	sadd.s32 s1, s30  }
0xc1: {  	s0 =	sor.u32 s3, s0;
	s1 =	sshll.u32 s1, $0x11  }
0xc2: {  	s0 =	sor.u32 s1, s0  }
0xc3: {  	s0 =	sadd.s32 $0x8F2B, s0  }
0xc4: {  	[sflag:s0] =	ssyncadd.remote.s32 $0x1  }
0xc5: {  	_ =	sfence.sel $0xFFFF  }
0xc6: {  	[dreg:$0x0] =	wrdreg $0xFFFFFFFF;
	(pc) =	sbr.abs _section_cstart, $3  }
0xc7: {  	[dreg:$0x1] =	wrdreg $0xFFFFFFFF  }
0xc8: {  	_ =	task.clear_ibuf [dreg:s7], $0x2FFFF;
	_ =	strace $0x9FFFFFFF  }
0xc9: {  	(tm) =	ssettm $0x7FFFFFFF  }
tec
execute0_lowered:
.L_overlay_start_1:
0x0: {  	(tag) =	ssettag $0x1  }
0x1: {  	s1 =	rddreg [dreg:$0x0]  }
0x2: {  	s0 =	rddreg [dreg:$0x1]  }
0x3: {  	s2 =	rddreg [dreg:$0x2];
	s3 =	srdreg.scid  }
0x4: {  	s4 =	simm.s32 $0x0;
	s14 =	stileid.u32;
	s29 =	simm.s32 $0x9580  }
0x5: {  	s30 =	simm.s32 $0xA980;
	s31 =	simm.s32 $0x4;
	s7 =	smul.u32 $0x4E000, s14  }
0x6: {  	s28 =	simm.s32 $0x2;
	s3 =	sand.u32 $0x1, s3;
	s11 =	smul.u32 $0x2700, s14  }
0x7: {  	[smem:$0x7FF] =	sst s4;
	s13 =	sadd.s32 $0x124800, s2;
	s20 =	smul.u32 $0x13800, s14  }
0x8: {  	s17 =	sadd.s32 $0x24900, s1;
	s22 =	smul.u32 $0x2710, s14;
	p0 =	seq.s32 s14, $0xF  }
0x9: {  	s5 =	sshll.u32 s3, $0x4;
	_ =	strace $0x8000004D;
	s18 =	smul.u32 $0x138800, s3  }
0xa: {  	s9 =	ssub.s32 $0x2, s3;
	[dreg:$0x5] =	wrdreg s17;
	s3 =	smul.u32 $0x27100, s3  }
0xb: {  	s6 =	sor.u32 s14, s5;
	s10 =	sshrl.u32 s9, $0x1;
	s7 =	sshrl.u32 s7, $0x2  }
0xc: {  	s16 =	sadd.s32 s1, s11;
	s5 =	sshll.u32 s6, $0xC;
	s9 =	ssub.s32 s9, s10  }
0xd: {  	s7 =	sadd.s32 s7, s2;
	[dreg:$0x4] =	wrdreg s16;
	s6 =	smul.u32 $0x2710, s6  }
0xe: {  	s21 =	sadd.s32 s20, s18;
	s3 =	sadd.s32 s22, s3;
	s22 =	simm.s32 $0x8000  }
0xf: {  	s8 =	sadd.s32 s5, s0;
	s5 =	sadd.s32 $0x2600, s0;
	s0 =	sadd.s32 $0x9AA00, s0  }
0x10: {  	s24 =	sadd.s32 $0xC8, s3;
	s25 =	sadd.s32 $0xA0, s3;
	s26 =	smax.u32 s9, $0x1  }
0x11: {  	s10 =	sadd.s32 $0x78, s3;
	s20 =	sshrl.u32 @!p0 s7, $0x3;
	s3 =	simm.s32 $0x5  }
0x12: {  	s7 =	simm.s32 $0x3;
	s8 =	sadd.s32 $0x7AA00, s8;
	s19 =	sshrl.u32 s6, $0x3  }
0x13: {  	s6 =	sadd.s32 $0x28, s6;
	[dreg:$0xc] =	wrdreg s26;
	s26 =	simm.s32 $0x8180  }
0x14: {  	[dreg:$0x6] =	wrdreg s8;
	s12 =	sadd.s32 s5, s19;
	s6 =	sshrl.u32 s6, $0x3  }
0x15: {  	s8 =	sshrl.u32 s18, $0x3;
	s6 =	sadd.s32 s5, s6;
	[dreg:$0x7] =	wrdreg s12  }
0x16: {  	s18 =	sshrl.u32 @p0 s13, $0x3;
	s23 =	sadd.s32 $0xA, s12;
	[dreg:$0x8] =	wrdreg s6  }
0x17: {  	[dreg:$0x9] =	wrdreg s23;
	s6 =	sshrl.u32 s21, $0x3;
	s21 =	simm.s32 $0x7  }
0x18: {  	s23 =	simm.s32 $0x8080;
	s6 =	sadd.s32 s0, s6;
	s0 =	sadd.s32 s0, s8  }
.Ltmp0:
0x19: {  	s8 =	simm.s32 $0x0;
	[dreg:$0xa] =	wrdreg s6;
	(pc) =	sbr.rel .LBB2_1-.Ltmp0, $4  }
0x1a: {  	s0 =	sadd.s32 $0x24900, s0;
	s6 =	sshrl.u32 s25, $0x3;
	s25 =	simm.s32 $0x28  }
0x1b: {  	[dreg:$0xb] =	wrdreg s0;
	s0 =	sshrl.u32 s24, $0x3;
	s11 =	sadd.s32 s6, s5  }
0x1c: {  	s24 =	simm.s32 $0x8100;
	s12 =	sadd.s32 s0, s5;
	s0 =	sshll.u32 @!p0 s14, $0x6  }
0x1d: {  	s6 =	simm.s32 $0x6;
	s19 =	sor.u32 @!p0 $0x1C07, s0;
	s0 =	simm.s32 $0x1  }
.LBB2_4:
0x1e: {  	_ =	swait.ge [sflag:s6], $0x1400  }
0x1f: {  	[sflag:s6] =	ssyncset.done $0x0  }
0x20: {  	[sflag:s6] =	ssyncadd.s32 $0xFFFFEC00  }
0x21: {  	_ =	swait.ge [sflag:s7], $0x28  }
0x22: {  	[sflag:s7] =	ssyncset.done $0x0  }
0x23: {  	[sflag:s7] =	ssyncadd.s32 $0xFFFFFFD8  }
0x24: {  	[spmem:s2] =	stream.indirect.scatter.add.f32 [tilespmem:s30], [sflag:$0x7], $0x80, s24, s25, $0xb8;
	[tilespmem:$0x1F600] =	vst v63  }
0x25: {  	_ =	swait.ge [sflag:s21], $0x1400  }
0x26: {  	[sflag:s21] =	ssyncset.done $0x0  }
0x27: {  	[sflag:s21] =	ssyncadd.s32 $0xFFFFEC00  }
0x28: {  	_ =	swait.ge [sflag:s31], $0x1400  }
0x29: {  	[sflag:s31] =	ssyncset.done $0x0  }
0x2a: {  	[sflag:s31] =	ssyncadd.s32 $0xFFFFEC00  }
0x2b: {  	_ =	swait.ge [sflag:s0], $0x28  }
0x2c: {  	[sflag:s0] =	ssyncset.done $0x0  }
0x2d: {  	[sflag:s0] =	ssyncadd.s32 $0xFFFFFFD8  }
0x2e: {  	[spmem:s2] =	stream.indirect.scatter.add.f32 [tilespmem:s26], [sflag:$0x7], $0x80, s22, s25, $0xb8;
	[tilespmem:$0x1F600] =	vst v63  }
0x2f: {  	_ =	swait.ge [sflag:s21], $0x1400  }
0x30: {  	[sflag:s21] =	ssyncset.done $0x0  }
0x31: {  	[sflag:s21] =	ssyncadd.s32 $0xFFFFEC00  }
0x32: {  	[bflag:$0x0] =	sbarrier.arrive $0xFFFF  }
0x33: {  	s9 =	simm.s32 @p0 $0x1FC7;
	s13 =	rddreg [dreg:$0xb]  }
0x34: {  	[hbm:s13], [sflag:s9] =	dma.local @p0 [spmem:s18], $0x2800  }
0x35: {  	s9 =	simm.s32 @p0 $0x7  }
0x36: {  	_ =	swait.ge @p0 [sflag:s9], $0x2800  }
0x37: {  	[sflag:s9] =	ssyncset.done @p0 $0x0  }
0x38: {  	[sflag:s9] =	ssyncadd.s32 @p0 $0xFFFFD800;
	s9 =	rddreg [dreg:$0xa]  }
0x39: {  	[hbm:s9], [sflag:s19] =	dma.local @!p0 [spmem:s20], $0x2700  }
0x3a: {  	s9 =	simm.s32 @!p0 $0x7  }
0x3b: {  	_ =	swait.ge @!p0 [sflag:s9], $0x2700  }
0x3c: {  	s8 =	sadd.s32 $0x1, s8;
	s17 =	rddreg [dreg:$0xc]  }
0x3d: {  	p1 =	sne.s32 s8, s17  }
.Ltmp1:
0x3e: {  	_ = 	snop;
	(pc) =	sbr.rel @!p1 .LBB2_5-.Ltmp1, $3  }
0x3f: {  	_ =	sdelay $0x1  }
0x40: {  	[sflag:s9] =	ssyncset.done @!p0 $0x0  }
0x41: {  	[sflag:s9] =	ssyncadd.s32 @!p0 $0xFFFFD900  }
.LBB2_1:
0x42: {  	s9 =	simm.s32 @p0 $0x1FC7;
	s13 =	rddreg [dreg:$0x5]  }
0x43: {  	[spmem:s18], [sflag:s9] =	dma.local @p0 [hbm:s13], $0x2800  }
0x44: {  	s9 =	simm.s32 @p0 $0x7  }
0x45: {  	_ =	swait.ge @p0 [sflag:s9], $0x2800  }
0x46: {  	[sflag:s9] =	ssyncset.done @p0 $0x0  }
0x47: {  	[sflag:s9] =	ssyncadd.s32 @p0 $0xFFFFD800;
	s9 =	rddreg [dreg:$0x4]  }
0x48: {  	[spmem:s20], [sflag:s19] =	dma.local @!p0 [hbm:s9], $0x2700  }
0x49: {  	s9 =	simm.s32 @!p0 $0x7  }
0x4a: {  	_ =	swait.ge @!p0 [sflag:s9], $0x2700  }
0x4b: {  	[sflag:s9] =	ssyncset.done @!p0 $0x0  }
0x4c: {  	s13 =	rddreg [dreg:$0x6];
	[sflag:s9] =	ssyncadd.s32 @!p0 $0xFFFFD900  }
0x4d: {  	[tilespmem:s4], [sflag:$0x7] =	stream.linear.gather [hbm4b:s13+s4], $0x7D00, $0x38;
	[tilespmem:$0x1F600] =	vst v63  }
0x4e: {  	_ =	swait.ge [sflag:s21], $0x7D00  }
0x4f: {  	[sflag:s21] =	ssyncset.done $0x0  }
0x50: {  	[sflag:s21] =	ssyncadd.s32 $0xFFFF8300  }
0x51: {  	[bflag:$0x0] =	sbarrier.arrive $0xFFFF  }
0x52: {  	s14 =	rddreg [dreg:$0x7]  }
0x53: {  	[tilespmem:s22], [sflag:$0x1] =	stream.linear.gather [hbm4b:s14+s4], $0x28, $0x38;
	[tilespmem:$0x1F600] =	vst v63  }
0x54: {  	s15 =	rddreg [dreg:$0x8]  }
0x55: {  	[tilespmem:s23], [sflag:$0x2] =	stream.linear.gather [hbm4b:s15+s4], $0x28, $0x38;
	[tilespmem:$0x1F600] =	vst v63  }
0x56: {  	s16 =	rddreg [dreg:$0x9]  }
0x57: {  	[tilespmem:s24], [sflag:$0x3] =	stream.linear.gather [hbm4b:s16+s4], $0x28, $0x38;
	[tilespmem:$0x1F600] =	vst v63  }
0x58: {  	_ = 	snop  }
0x59: {  	[tilespmem:s26], [sflag:$0x4] =	stream.indirect.gather [hbm4b:s1+s25], $0x80, s4, s25, $0xb8;
	[tilespmem:$0x1F600] =	vst v63  }
0x5a: {  	s17 =	simm.s32 $0x80;
	s9 =	simm.s32 $0x0  }
0x5b: {  	[tilespmem:s29], [sflag:$0x5] =	stream.indirect.gather [hbm4b:s1+s25], $0x80, s17, s25, $0xb8;
	[tilespmem:$0x1F600] =	vst v63  }
0x5c: {  	s15 =	smov.u32 s12;
	s16 =	smov.u32 s11;
	s17 =	smov.u32 s10  }
.LBB2_2:
0x5d: {  	s13 =	sshra.s32 s9, $0x2  }
0x5e: {  	s14 =	sadd.s32 $0x100, s13  }
0x5f: {  	[tilespmem:s30], [sflag:$0x6] =	stream.indirect.gather [hbm4b:s1+s25], $0x80, s14, s25, $0xb8;
	[tilespmem:$0x1F600] =	vst v63  }
0x60: {  	_ =	swait.ge [sflag:s31], $0x1400  }
0x61: {  	[sflag:s31] =	ssyncset.done $0x0  }
0x62: {  	[sflag:s31] =	ssyncadd.s32 $0xFFFFEC00  }
0x63: {  	_ =	swait.ge [sflag:s0], $0x28  }
0x64: {  	[sflag:s0] =	ssyncset.done $0x0  }
0x65: {  	[sflag:s0] =	ssyncadd.s32 $0xFFFFFFD8  }
0x66: {  	[spmem:s2] =	stream.indirect.scatter.add.f32 [tilespmem:s26], [sflag:$0x7], $0x80, s22, s25, $0xb8;
	[tilespmem:$0x1F600] =	vst v63  }
0x67: {  	_ =	swait.ge [sflag:s21], $0x1400  }
0x68: {  	s14 =	sshrl.u32 s17, $0x3;
	[sflag:s21] =	ssyncset.done $0x0  }
0x69: {  	s14 =	sadd.s32 s5, s14;
	[sflag:s21] =	ssyncadd.s32 $0xFFFFEC00  }
0x6a: {  	[tilespmem:s22], [sflag:$0x1] =	stream.linear.gather [hbm4b:s14+s4], $0x28, $0x38;
	[tilespmem:$0x1F600] =	vst v63  }
0x6b: {  	s14 =	sadd.s32 $0x180, s13  }
0x6c: {  	[tilespmem:s26], [sflag:$0x4] =	stream.indirect.gather [hbm4b:s1+s25], $0x80, s14, s25, $0xb8;
	[tilespmem:$0x1F600] =	vst v63  }
0x6d: {  	_ =	swait.ge [sflag:s3], $0x1400  }
0x6e: {  	[sflag:s3] =	ssyncset.done $0x0  }
0x6f: {  	[sflag:s3] =	ssyncadd.s32 $0xFFFFEC00  }
0x70: {  	_ =	swait.ge [sflag:s28], $0x28  }
0x71: {  	p1 =	seq.s32 s9, $0x1EC00;
	[sflag:s28] =	ssyncset.done $0x0  }
.Ltmp2:
0x72: {  	[sflag:s28] =	ssyncadd.s32 $0xFFFFFFD8;
	(pc) =	sbr.rel @p1 .LBB2_4-.Ltmp2, $4  }
0x73: {  	[spmem:s2] =	stream.indirect.scatter.add.f32 [tilespmem:s29], [sflag:$0x7], $0x80, s23, s25, $0xb8;
	[tilespmem:$0x1F600] =	vst v63  }
0x74: {  	_ =	swait.ge [sflag:s21], $0x1400  }
0x75: {  	[sflag:s21] =	ssyncset.done $0x0  }
0x76: {  	[sflag:s21] =	ssyncadd.s32 $0xFFFFEC00  }
0x77: {  	[tilespmem:s23], [sflag:$0x2] =	stream.linear.gather [hbm4b:s16+s4], $0x28, $0x38;
	[tilespmem:$0x1F600] =	vst v63  }
0x78: {  	s13 =	sadd.s32 $0x200, s13  }
0x79: {  	[tilespmem:s29], [sflag:$0x5] =	stream.indirect.gather [hbm4b:s1+s25], $0x80, s13, s25, $0xb8;
	[tilespmem:$0x1F600] =	vst v63  }
0x7a: {  	_ =	swait.ge [sflag:s6], $0x1400  }
0x7b: {  	[sflag:s6] =	ssyncset.done $0x0  }
0x7c: {  	[sflag:s6] =	ssyncadd.s32 $0xFFFFEC00  }
0x7d: {  	_ =	swait.ge [sflag:s7], $0x28  }
0x7e: {  	[sflag:s7] =	ssyncset.done $0x0  }
0x7f: {  	[sflag:s7] =	ssyncadd.s32 $0xFFFFFFD8  }
0x80: {  	[spmem:s2] =	stream.indirect.scatter.add.f32 [tilespmem:s30], [sflag:$0x7], $0x80, s24, s25, $0xb8;
	[tilespmem:$0x1F600] =	vst v63  }
.Ltmp3:
0x81: {  	_ =	swait.ge [sflag:s21], $0x1400;
	(pc) =	sbr.rel .LBB2_2-.Ltmp3, $4  }
0x82: {  	[sflag:s21] =	ssyncset.done $0x0  }
0x83: {  	s16 =	sadd.s32 $0xF, s16;
	[sflag:s21] =	ssyncadd.s32 $0xFFFFEC00  }
0x84: {  	[tilespmem:s24], [sflag:$0x3] =	stream.linear.gather [hbm4b:s15+s4], $0x28, $0x38;
	[tilespmem:$0x1F600] =	vst v63  }
0x85: {  	s9 =	sadd.s32 $0x600, s9;
	s17 =	sadd.s32 $0x78, s17;
	s15 =	sadd.s32 $0xF, s15  }
.LBB2_5:
0x86: {  	_ =	sfence.sel $0x180000  }
0x87: {  	[bflag:$0x0] =	sbarrier.arrive $0xFFFF  }
0x88: {  	_ =	strace $0x9000004D  }
0x89: {  	s0 =	stileid.u32;
	[bflag:$0x2] =	sbarrier.arrive $0xFFFF  }
0x8a: {  	p0 =	sne.s32 s0, $0x0;
	s0 =	rddreg [dreg:$0x3]  }
0x8b: {  	s0 =	sadd.s32 @!p0 $0x100000, s0  }
0x8c: {  	[sflag:s0] =	ssyncadd.tile.s32 @!p0 $0x1;
	_ =	shalt  }
.Lfunc_end2:
_tile_overlayer_lowered:
.L_overlay_start_2:
0x8d: {  	(tag) =	ssettag $0x2  }
0x8e: {  	s0 =	rddreg [dreg:$0x0];
	s2 =	stileid.u32  }
0x8f: {  	s1 =	rddreg [dreg:$0x1];
	p0 =	sne.s32 s2, $0x0  }
0x90: {  	s3 =	rddreg [dreg:$0x2];
	[bflag:$0x3] =	sbarrier.arrive $0xFFFF;
	s2 =	simm.s32 @!p0 $0x1C07  }
0x91: {  	[timem:s3], [sflag:s2] =	dma.local @!p0 [hbm:s0], s1  }
0x92: {  	s0 =	simm.s32 @!p0 $0x7  }
0x93: {  	_ =	swait.ge @!p0 [sflag:s0], s1  }
0x94: {  	s1 =	ssub.s32 @!p0 $0x0, s1;
	[sflag:s0] =	ssyncset.done @!p0 $0x0  }
0x95: {  	[sflag:s0] =	ssyncadd.s32 @!p0 s1  }
0x96: {  	[bflag:$0x3] =	sbarrier.arrive $0xFFFF  }
0x97: {  	_ =	shalt  }

// kernel: kernel.8.cloned.1.call-start
scs
__scs_entry_jumppad:
0x0: {  	(pc) =	sbr.rel $0x88, $3  }
0x1: {  	(tag) =	ssettag $0x0;
	lr =	simm.s32 $0x1  }
0x2: {  	[smem:$0x3F9A] =	sst lr;
	_ =	strace $0xD0000000  }
0x3: {  	_ = 	snop  }
0x4: {  	_ = 	snop  }
0x5: {  	_ = 	snop  }
0x6: {  	_ = 	snop  }
0x7: {  	_ = 	snop  }
__scs_overlays_trampoline_lowered:
0x8: {  	[smem:$0x3FA9] =	sst s0  }
0x9: {  	[smem:$0x3FAA] =	sst s1  }
0xa: {  	[smem:$0x3FAB] =	sst s2  }
0xb: {  	[smem:$0x3FAC] =	sst s3  }
0xc: {  	[smem:$0x3FAD] =	sst s4  }
0xd: {  	[smem:$0x3FAE] =	sst s5  }
0xe: {  	[smem:$0x3FAF] =	sst s6  }
0xf: {  	[smem:$0x3FB0] =	sst s7  }
0x10: {  	[smem:$0x3FB1] =	sst s8  }
0x11: {  	[smem:$0x3FB2] =	sst s9;
	s0 =	simm.s32 @!p0 $0x0  }
0x12: {  	s1 =	sld [smem:$0x3F98];
	s0 =	simm.s32 @p0 $0x1  }
0x13: {  	[smem:$0x3FB3] =	sst s0;
	s0 =	simm.s32 @!p1 $0x0  }
0x14: {  	s2 =	sld [smem:$0x3F97];
	s0 =	simm.s32 @p1 $0x1  }
0x15: {  	[smem:$0x3FB4] =	sst s0;
	s0 =	simm.s32 @!p2 $0x0  }
0x16: {  	s3 =	sld [smem:$0x3FDB];
	s0 =	simm.s32 @p2 $0x1  }
0x17: {  	s4 =	simm.s32 $0x1BF5;
	[smem:$0x3FB6] =	sst s0  }
0x18: {  	s0 =	sld [smem:$0x3F99];
	_ =	swait.ge [sflag:s4], $0x0  }
0x19: {  	s7 =	sld [smem:$0x3F9A]  }
0x1a: {  	s8 =	sadd.s32 $0xFFFFE003, lr  }
0x1b: {  	s9 =	sadd.s32 $0xFFFFFEF7, lr;
	s5 =	simm.s32 $0xFFFFFFFF;
	p2 =	slt.u32 s8, $0xFFFFF086  }
0x1c: {  	p1 =	slt.u32 s9, $0xF7A;
	s5 =	simm.s32 @!p2 $0x0  }
0x1d: {  	s5 =	simm.s32 @p1 $0x1;
	p0 =	seq.s32 s7, s2  }
0x1e: {  	s7 =	smul.u32 @!p0 $0xF7A, s2;
	p2 =	seq.s32 @!p0 s5, $0x0  }
0x1f: {  	s9 =	smul.u32 $0xF7A, s1;
	s8 =	simm.s32 @!p0 $0x1BF5;
	p2 =	por !p2, p0  }
0x20: {  	[sflag:s8] =	ssyncset.s32 @!p0 $0xFFFFF086;
	s6 =	sadd.s32 @!p0 s3, s7;
	s7 =	simm.s32 @!p0 $0x108  }
0x21: {  	s3 =	sadd.s32 s3, s9;
	s6 =	sadd.s32 @!p0 $0x88, s6;
	s7 =	simm.s32 @p2 $0x1082  }
0x22: {  	[simem:s7], [sflag:s8] =	dma.local @!p0 [hbm:s6], $0xF7A  }
0x23: {  	s9 =	sor.u32 $0xD0000000, s2;
	s6 =	simm.s32 $0x108;
	_ =	swait.ge @!p0 [sflag:s8], $0x0  }
0x24: {  	s3 =	sadd.s32 $0x88, s3;
	s6 =	simm.s32 @!p1 $0x1082;
	[sflag:s4] =	ssyncset.s32 $0xFFFFF086  }
0x25: {  	[simem:s6], [sflag:s4] =	dma.local [hbm:s3], $0xF7A  }
0x26: {  	[smem:$0x3F9A] =	sst s1;
	(tag) =	ssettag s2;
	_ =	strace s9  }
0x27: {  	s1 =	sld [smem:$0x3FAA]  }
0x28: {  	s2 =	sld [smem:$0x3FAB]  }
0x29: {  	s4 =	sld [smem:$0x3FAD]  }
0x2a: {  	p0 =	seq.s32 s5, $0x0;
	s5 =	sld [smem:$0x3FAE]  }
0x2b: {  	s6 =	sld [smem:$0x3FAF]  }
0x2c: {  	s7 =	sld [smem:$0x3FB0]  }
0x2d: {  	s3 =	simm.s32 $0x108;
	s8 =	sld [smem:$0x3FB1]  }
0x2e: {  	s3 =	simm.s32 @!p0 $0x1082;
	s9 =	sld [smem:$0x3FB2]  }
0x2f: {  	lr =	sadd.s32 s0, s3;
	s0 =	sld [smem:$0x3FA9]  }
0x30: {  	s3 =	sld [smem:$0x3FAC]  }
0x31: {  	[smem:$0x3FB5] =	sst s10  }
0x32: {  	s10 =	sld [smem:$0x3FB3];
	_ =	sdelay $0x3  }
0x33: {  	p0 =	seq.s32 s10, $0x1;
	s10 =	sld [smem:$0x3FB5];
	_ =	sdelay $0x3  }
0x34: {  	[smem:$0x3FB5] =	sst s10  }
0x35: {  	s10 =	sld [smem:$0x3FB4];
	_ =	sdelay $0x3  }
0x36: {  	p1 =	seq.s32 s10, $0x1;
	s10 =	sld [smem:$0x3FB5];
	_ =	sdelay $0x3  }
0x37: {  	[smem:$0x3FB5] =	sst s10  }
0x38: {  	s10 =	sld [smem:$0x3FB6]  }
0x39: {  	_ = 	snop;
	(pc) =	sbr.ind lr, $3  }
0x3a: {  	_ = 	snop  }
0x3b: {  	_ = 	snop  }
0x3c: {  	p2 =	seq.s32 s10, $0x1;
	s10 =	sld [smem:$0x3FB5]  }
0x3d: {  	_ =	shalt  }
0x3e: {  	_ =	shalt  }
0x3f: {  	_ =	shalt  }
0x40: {  	_ =	shalt  }
0x41: {  	_ =	shalt  }
0x42: {  	_ =	shalt  }
0x43: {  	_ =	shalt  }
0x44: {  	_ =	shalt  }
0x45: {  	_ =	shalt  }
0x46: {  	_ =	shalt  }
0x47: {  	_ =	shalt  }
0x48: {  	_ =	shalt  }
0x49: {  	_ =	shalt  }
0x4a: {  	_ =	shalt  }
0x4b: {  	_ =	shalt  }
0x4c: {  	_ =	shalt  }
0x4d: {  	_ =	shalt  }
0x4e: {  	_ =	shalt  }
0x4f: {  	_ =	shalt  }
0x50: {  	_ =	shalt  }
0x51: {  	_ =	shalt  }
0x52: {  	_ =	shalt  }
0x53: {  	_ =	shalt  }
0x54: {  	_ =	shalt  }
0x55: {  	_ =	shalt  }
0x56: {  	_ =	shalt  }
0x57: {  	_ =	shalt  }
0x58: {  	_ =	shalt  }
0x59: {  	_ =	shalt  }
0x5a: {  	_ =	shalt  }
0x5b: {  	_ =	shalt  }
0x5c: {  	_ =	shalt  }
0x5d: {  	_ =	shalt  }
0x5e: {  	_ =	shalt  }
0x5f: {  	_ =	shalt  }
0x60: {  	_ =	shalt  }
0x61: {  	_ =	shalt  }
0x62: {  	_ =	shalt  }
0x63: {  	_ =	shalt  }
0x64: {  	_ =	shalt  }
0x65: {  	_ =	shalt  }
0x66: {  	_ =	shalt  }
0x67: {  	_ =	shalt  }
0x68: {  	_ =	shalt  }
0x69: {  	_ =	shalt  }
0x6a: {  	_ =	shalt  }
0x6b: {  	_ =	shalt  }
0x6c: {  	_ =	shalt  }
0x6d: {  	_ =	shalt  }
0x6e: {  	_ =	shalt  }
0x6f: {  	_ =	shalt  }
0x70: {  	_ =	shalt  }
0x71: {  	_ =	shalt  }
0x72: {  	_ =	shalt  }
0x73: {  	_ =	shalt  }
0x74: {  	_ =	shalt  }
0x75: {  	_ =	shalt  }
0x76: {  	_ =	shalt  }
0x77: {  	_ =	shalt  }
0x78: {  	_ =	shalt  }
0x79: {  	_ =	shalt  }
0x7a: {  	_ =	shalt  }
0x7b: {  	_ =	shalt  }
0x7c: {  	_ =	shalt  }
0x7d: {  	_ =	shalt  }
0x7e: {  	_ =	shalt  }
0x7f: {  	_ =	shalt  }
0x80: {  	_ =	shalt  }
0x81: {  	_ =	shalt  }
0x82: {  	_ =	shalt  }
0x83: {  	_ =	shalt  }
0x84: {  	_ =	shalt  }
0x85: {  	_ =	shalt  }
0x86: {  	_ =	shalt  }
0x87: {  	_ =	shalt  }
.Lfunc_end0:
.L_simem_size_0:
called_computation_lowered:
.L_overlay_start_0:
0x88: {  	s2 =	sld [smem:$0x3FD9]  }
0x89: {  	s3 =	sld [smem:$0x3FFE];
	_ =	sdelay $0x1  }
0x8a: {  	s1 =	srdreg.scid  }
0x8b: {  	s0 =	sand.u32 $0x1, s1  }
0x8c: {  	s14 =	sshll.u32 s0, $0xA;
	s2 =	sadd.s32 s3, s2  }
0x8d: {  	s2 =	sadd.s32 s2, s14  }
0x8e: {  	[smem:$0x3FC1] =	sst s2  }
0x8f: {  	_ = 	snop  }
0x90: {  	s2 =	sld [smem:$0x3FD0];
	_ =	sdelay $0x2  }
0x91: {  	s15 =	simm.s32 $0xA;
	s4 =	simm.s32 $0x10  }
0x92: {  	[smem:s4], [sflag:s15] =	dma.local [hbm:s2], $0x1  }
0x93: {  	_ =	swait.eq [sflag:s15], $0x1  }
0x94: {  	[sflag:s15] =	ssyncset.done $0x0  }
0x95: {  	[sflag:s15] =	ssyncadd.s32 $0xFFFFFFFF  }
0x96: {  	s16 =	sld [smem:$0x10];
	(tm) =	ssettm $0x1  }
0x97: {  	s17 =	sld [smem:$0x3FFB];
	_ =	sdelay $0x3  }
0x98: {  	_ =	strace s17  }
0x99: {  	s3 =	sld [smem:$0x3FFC];
	_ =	sdelay $0x3  }
0x9a: {  	_ =	strace s3  }
0x9b: {  	s3 =	sld [smem:$0x3FFD];
	_ =	sdelay $0x3  }
0x9c: {  	_ =	strace s3  }
0x9d: {  	_ =	strace $0x8FFFFFFF  }
0x9e: {  	s18 =	sld [smem:$0x3FDB];
	_ =	sdelay $0x1  }
0x9f: {  	s19 =	simm.s32 $_scs_section_size  }
0xa0: {  	s5 =	simm.s32 $_size__tile_overlayer_lowered;
	s6 =	simm.s32 $_tile_overlayer_lowered  }
0xa1: {  	s22 =	simm.s32 $0x1BFF;
	s21 =	sshll.u32 s6, $0x1;
	s3 =	sadd.s32 s19, s18  }
0xa2: {  	s7 =	simm.s32 $0x0;
	s20 =	sshll.u32 s5, $0x1;
	s5 =	sadd.s32 s21, s3  }
0xa3: {  	[timem:s7], [sflag:s22] =	dma.local [hbm:s5], s20  }
0xa4: {  	_ =	swait.ge [sflag:s22], s20  }
0xa5: {  	s4 =	ssub.s32 $0x0, s20;
	[sflag:s22] =	ssyncset.done $0x0  }
0xa6: {  	[sflag:s22] =	ssyncadd.s32 s4;
	_ =	sdelay $0x1  }
0xa7: {  	s23 =	simm.s32 $0x1B8B  }
0xa8: {  	_ =	swait.ge [sflag:s23], $0x1  }
0xa9: {  	[sflag:s23] =	ssyncset.done $0x0  }
0xaa: {  	s25 =	simm.s32 $0x1B8E;
	s24 =	sld [smem:$0x3FFE];
	[sflag:s23] =	ssyncadd.s32 $0xFFFFFFFF  }
0xab: {  	s26 =	simm.s32 $execute0_lowered;
	[smem:$0x3FD2] =	sst s25  }
0xac: {  	s5 =	sshll.u32 s26, $0x1;
	_ =	strace $0x80000046;
	[dreg:$0x1] =	wrdreg $0xFFFFFFFF  }
0xad: {  	s28 =	simm.s32 $_size_execute0_lowered;
	s3 =	sadd.s32 s3, s5;
	[dreg:$0x0] =	wrdreg $0x0  }
0xae: {  	s5 =	sshll.u32 s28, $0x1;
	[dreg:$0x2] =	wrdreg s3  }
0xaf: {  	[dreg:$0x3] =	wrdreg s5  }
0xb0: {  	[dreg:$0x4] =	wrdreg $0xC0  }
0xb1: {  	_ =	task [dreg:s7], $0x5FFFF  }
0xb2: {  	[dreg:$0x1] =	wrdreg $0xFFFFFFFF  }
0xb3: {  	[dreg:$0x0] =	wrdreg $0x60  }
0xb4: {  	[dreg:$0x2] =	wrdreg s24  }
0xb5: {  	[dreg:$0x3] =	wrdreg s16  }
0xb6: {  	[dreg:$0x4] =	wrdreg $0x94000  }
0xb7: {  	[dreg:$0x5] =	wrdreg $0x9  }
0xb8: {  	_ =	task.clear_ibuf [dreg:s7], $0x6FFFF;
	_ =	strace $0x90000046  }
0xb9: {  	s29 =	simm.s32 $0x9;
	_ =	strace $0x80000048  }
0xba: {  	_ =	swait.ge [sflag:s29], $0x1  }
0xbb: {  	[sflag:s29] =	ssyncadd.s32 $0xFFFFFFFF  }
0xbc: {  	_ =	strace $0x90000048  }
0xbd: {  	_ =	sfence  }
0xbe: {  	s30 =	sld [smem:$0x0];
	_ =	sdelay $0x2  }
0xbf: {  	s31 =	sshll.u32 s1, $0xD;
	s1 =	sshrl.u32 s1, $0x2  }
0xc0: {  	s3 =	sand.u32 $0x4000, s31;
	s1 =	sadd.s32 s1, s30  }
0xc1: {  	s0 =	sor.u32 s3, s0;
	s1 =	sshll.u32 s1, $0x11  }
0xc2: {  	s0 =	sor.u32 s1, s0  }
0xc3: {  	s0 =	sadd.s32 $0x8F2B, s0  }
0xc4: {  	[sflag:s0] =	ssyncadd.remote.s32 $0x1  }
0xc5: {  	_ =	sfence.sel $0xFFFF  }
0xc6: {  	[dreg:$0x0] =	wrdreg $0xFFFFFFFF;
	(pc) =	sbr.abs _section_cstart, $3  }
0xc7: {  	[dreg:$0x1] =	wrdreg $0xFFFFFFFF  }
0xc8: {  	_ =	task.clear_ibuf [dreg:s7], $0x2FFFF;
	_ =	strace $0x9FFFFFFF  }
0xc9: {  	(tm) =	ssettm $0x7FFFFFFF  }
tec
execute0_lowered:
.L_overlay_start_1:
0x0: {  	(tag) =	ssettag $0x1  }
0x1: {  	s5 =	rddreg [dreg:$0x0]  }
0x2: {  	s7 =	rddreg [dreg:$0x1]  }
0x3: {  	s2 =	rddreg [dreg:$0x2]  }
0x4: {  	s0 =	rddreg [dreg:$0x3]  }
0x5: {  	s3 =	simm.s32 $0x0;
	s1 =	stileid.u32;
	s8 =	srdreg.scid  }
0x6: {  	s17 =	simm.s32 $0x1;
	s18 =	simm.s32 $0x0;
	[smem:$0x7FF] =	sst s3  }
0x7: {  	s4 =	sshll.u32 s1, $0xC;
	s9 =	smul.u32 $0x4E000, s1;
	s10 =	sadd.s32 $0x2C800, s5  }
0x8: {  	s24 =	sand.u32 $0x1, s8;
	s25 =	smul.u32 $0x2700, s1;
	s14 =	sadd.s32 $0x124800, s2  }
0x9: {  	s28 =	smul.u32 $0x13800, s1;
	p0 =	seq.s32 s1, $0xF;
	_ =	strace $0x80000047  }
0xa: {  	s6 =	sadd.s32 s4, s5;
	s4 =	sadd.s32 $0x2C400, s5;
	s11 =	ssub.s32 $0x2, s24  }
0xb: {  	s12 =	sshll.u32 s24, $0x10;
	s13 =	smul.u32 $0x138800, s24;
	s16 =	sshll.u32 @!p0 s1, $0x6  }
0xc: {  	s26 =	sshrl.u32 s11, $0x1;
	s6 =	sadd.s32 s12, s6;
	s29 =	sshrl.u32 s9, $0x2  }
0xd: {  	s12 =	simm.s32 $0x2;
	s11 =	ssub.s32 s11, s26;
	s5 =	sadd.s32 $0xC400, s6  }
0xe: {  	s15 =	sadd.s32 s29, s2;
	s6 =	sadd.s32 s7, s25;
	s30 =	sadd.s32 s28, s13  }
0xf: {  	s31 =	sshrl.u32 s13, $0x3;
	s7 =	sadd.s32 $0x24900, s7;
	s13 =	sshrl.u32 @p0 s14, $0x3  }
0x10: {  	s14 =	sor.u32 @!p0 $0x1C02, s16;
	s16 =	simm.s32 $0x28;
	s8 =	sshrl.u32 s30, $0x3  }
0x11: {  	s9 =	sadd.s32 s10, s31;
	s15 =	sshrl.u32 @!p0 s15, $0x3;
	s8 =	sadd.s32 s10, s8  }
0x12: {  	s9 =	sadd.s32 $0x24900, s9;
	s10 =	smax.u32 s11, $0x1;
	s11 =	simm.s32 $0x8000  }
.LBB2_1:
0x13: {  	[tilespmem:s11], [sflag:$0x2] =	stream.linear.gather [hbm4b:s4+s3], $0x1400, $0x38;
	[tilespmem:$0x1CC80] =	vst v63  }
0x14: {  	_ =	swait.ge [sflag:s12], $0x1400  }
0x15: {  	[sflag:s12] =	ssyncset.done $0x0  }
0x16: {  	[sflag:s12] =	ssyncadd.s32 $0xFFFFEC00  }
0x17: {  	[tilespmem:s3], [sflag:$0x2] =	stream.linear.gather [hbm4b:s5+s3], $0x7D00, $0x38;
	[tilespmem:$0x1CC80] =	vst v63  }
0x18: {  	_ =	swait.ge [sflag:s12], $0x7D00  }
0x19: {  	[sflag:s12] =	ssyncset.done $0x0  }
0x1a: {  	s19 =	simm.s32 @p0 $0x1FC2;
	[sflag:s12] =	ssyncadd.s32 $0xFFFF8300  }
0x1b: {  	[spmem:s13], [sflag:s19] =	dma.local @p0 [hbm:s7], $0x2800  }
0x1c: {  	s19 =	simm.s32 @p0 $0x2  }
0x1d: {  	_ =	swait.ge @p0 [sflag:s19], $0x2800  }
0x1e: {  	[sflag:s19] =	ssyncset.done @p0 $0x0  }
0x1f: {  	[sflag:s19] =	ssyncadd.s32 @p0 $0xFFFFD800;
	s19 =	simm.s32 @!p0 $0x2  }
0x20: {  	[spmem:s15], [sflag:s14] =	dma.local @!p0 [hbm:s6], $0x2700  }
0x21: {  	_ =	swait.ge @!p0 [sflag:s19], $0x2700  }
0x22: {  	[sflag:s19] =	ssyncset.done @!p0 $0x0  }
0x23: {  	[sflag:s19] =	ssyncadd.s32 @!p0 $0xFFFFD900  }
0x24: {  	s19 =	simm.s32 $0x0;
	[bflag:$0x0] =	sbarrier.arrive $0xFFFF  }
.LBB2_2:
0x25: {  	p1 =	sne.s32 s19, $0x1F200  }
.Ltmp0:
0x26: {  	_ = 	snop;
	(pc) =	sbr.rel @p1 .LBB2_2-.Ltmp0, $3  }
0x27: {  	_ =	sdelay $0x1  }
0x28: {  	s20 =	sshra.s32 s19, $0x2;
	s19 =	sadd.s32 $0x200, s19  }
0x29: {  	[spmem:s2] =	stream.indirect.scatter.add.f32 [tilespmem:s11], [sflag:$0x1], $0x80, s20, s16, $0xb8;
	[tilespmem:$0x1CC80] =	vst v63  }
0x2a: {  	_ =	swait.ge [sflag:s17], $0x1400  }
0x2b: {  	s19 =	simm.s32 $0xF9;
	[sflag:s17] =	ssyncset.done $0x0  }
.LBB2_4:
0x2c: {  	p1 =	sne.s32 s19, $0x1;
	s19 =	sadd.s32 $0xFFFFFFFF, s19;
	[sflag:s17] =	ssyncadd.s32 $0xFFFFEC00  }
.Ltmp1:
0x2d: {  	(pc) =	sbr.rel @p1 .LBB2_4-.Ltmp1, $3  }
0x2e: {  	_ =	sdelay $0x1  }
0x2f: {  	_ =	swait.ge [sflag:s17], $0x1400  }
0x30: {  	[sflag:s17] =	ssyncset.done $0x0  }
0x31: {  	[sflag:s17] =	ssyncadd.s32 $0xFFFFEC00  }
0x32: {  	s19 =	simm.s32 @p0 $0x1FC2;
	[bflag:$0x0] =	sbarrier.arrive $0xFFFF  }
0x33: {  	[hbm:s9], [sflag:s19] =	dma.local @p0 [spmem:s13], $0x2800  }
0x34: {  	s19 =	simm.s32 @p0 $0x2  }
0x35: {  	s18 =	sadd.s32 $0x1, s18;
	_ =	swait.ge @p0 [sflag:s19], $0x2800  }
0x36: {  	p1 =	sne.s32 s18, s10;
	[sflag:s19] =	ssyncset.done @p0 $0x0  }
.Ltmp2:
0x37: {  	[sflag:s19] =	ssyncadd.s32 @p0 $0xFFFFD800;
	s19 =	simm.s32 @!p0 $0x2;
	(pc) =	sbr.rel @p1 .LBB2_1-.Ltmp2, $4  }
0x38: {  	[hbm:s8], [sflag:s14] =	dma.local @!p0 [spmem:s15], $0x2700  }
0x39: {  	_ =	swait.ge @!p0 [sflag:s19], $0x2700  }
0x3a: {  	[sflag:s19] =	ssyncset.done @!p0 $0x0  }
0x3b: {  	[sflag:s19] =	ssyncadd.s32 @!p0 $0xFFFFD900  }
0x3c: {  	_ =	sfence.sel $0x180000  }
0x3d: {  	[bflag:$0x0] =	sbarrier.arrive $0xFFFF  }
0x3e: {  	p0 =	sne.s32 s1, $0x0;
	_ =	strace $0x90000047  }
0x3f: {  	s0 =	sadd.s32 @!p0 $0x100000, s0;
	[bflag:$0x2] =	sbarrier.arrive $0xFFFF  }
0x40: {  	[sflag:s0] =	ssyncadd.tile.s32 @!p0 $0x1;
	_ =	shalt  }
.Lfunc_end2:
_tile_overlayer_lowered:
.L_overlay_start_2:
0x41: {  	(tag) =	ssettag $0x2  }
0x42: {  	s0 =	rddreg [dreg:$0x0];
	s2 =	stileid.u32  }
0x43: {  	s1 =	rddreg [dreg:$0x1];
	p0 =	sne.s32 s2, $0x0  }
0x44: {  	s3 =	rddreg [dreg:$0x2];
	[bflag:$0x3] =	sbarrier.arrive $0xFFFF;
	s2 =	simm.s32 @!p0 $0x1C02  }
0x45: {  	[timem:s3], [sflag:s2] =	dma.local @!p0 [hbm:s0], s1  }
0x46: {  	s0 =	simm.s32 @!p0 $0x2  }
0x47: {  	_ =	swait.ge @!p0 [sflag:s0], s1  }
0x48: {  	s1 =	ssub.s32 @!p0 $0x0, s1;
	[sflag:s0] =	ssyncset.done @!p0 $0x0  }
0x49: {  	[sflag:s0] =	ssyncadd.s32 @!p0 s1  }
0x4a: {  	[bflag:$0x3] =	sbarrier.arrive $0xFFFF  }
0x4b: {  	_ =	shalt  }

</sc_bundles>
